<compile_context>
chip_gen: v7x
topology: tpu7x:2x2x1
jax: 0.10.2.dev20260603
libtpu: 0.0.44.dev20260713+nightly
codegen_flags: <defaults>
</compile_context>

<pallas_src>
import functools

import jax
import jax.numpy as jnp
from jax import lax
from jax.experimental import pallas as pl
from jax.experimental.pallas import tpu as pltpu
from jax.experimental.pallas import tpu_sc as plsc

N = 10000
E = 320000
D = 128
H = 16
C = 7

NC = 2
NS = 16
NW = NC * NS
EW = E // NW
CHUNK = 2000
NCHUNK = EW // CHUNK
NBUF = 2
NPAD = 10240
RPT = NPAD // NS

_mesh = plsc.VectorSubcoreMesh(core_axis_name="c", subcore_axis_name="s")
_sc_params = pltpu.CompilerParams(use_tc_tiling_on_sc=False)


def _fill(ref, n, value):
    v = jnp.full((16,), value, ref.dtype)

    def body(i, _):
        ref[pl.ds(i * 16, 16)] = v
        return 0

    lax.fori_loop(0, n // 16, body, 0)


@functools.partial(
    pl.kernel,
    out_type=jax.ShapeDtypeStruct((NC, NPAD, H), jnp.float32),
    mesh=_mesh,
    scratch_types=[
        pltpu.VMEM((EW,), jnp.int32),
        pltpu.VMEM((EW,), jnp.float32),
        pltpu.VMEM((RPT,), jnp.float32),
        pltpu.VMEM((RPT, H), jnp.float32),
        pltpu.VMEM_SHARED((NPAD,), jnp.float32),
        pltpu.SemaphoreType.DMA,
    ],
    compiler_params=_sc_params,
)
def _deg_kernel(edge_hbm, out_hbm, idx_v, ones_v, buf_v, ebuf_v, deg_sh, sem):
    c = lax.axis_index("c")
    s = lax.axis_index("s")
    wid = s * NC + c
    ld = pltpu.async_copy(edge_hbm.at[1, pl.ds(wid * EW, EW)], idx_v, sem)
    _fill(ones_v, EW, 1.0)
    _fill(buf_v, RPT, 0.0)
    pltpu.sync_copy(buf_v, deg_sh.at[pl.ds(s * RPT, RPT)])
    plsc.subcore_barrier()

    ld.wait()
    pltpu.sync_copy(ones_v, deg_sh.at[idx_v], add=True)

    plsc.subcore_barrier()
    pltpu.sync_copy(deg_sh.at[pl.ds(s * RPT, RPT)], buf_v)

    def expand(g, _):
        vec = buf_v[pl.ds(g * 16, 16)]
        for i in range(16):
            ebuf_v[g * 16 + i, :] = jnp.broadcast_to(vec[i], (16,))
        return 0

    lax.fori_loop(0, RPT // 16, expand, 0)
    pltpu.sync_copy(ebuf_v, out_hbm.at[c, pl.ds(s * RPT, RPT)])


@functools.partial(
    pl.kernel,
    out_type=jax.ShapeDtypeStruct((NC, NPAD, H), jnp.float32),
    mesh=_mesh,
    scratch_types=(
        [pltpu.VMEM((CHUNK,), jnp.int32) for _ in range(NBUF)]
        + [pltpu.VMEM((CHUNK,), jnp.int32) for _ in range(NBUF)]
        + [pltpu.VMEM((CHUNK, H), jnp.float32) for _ in range(NBUF)]
        + [
            pltpu.VMEM((RPT, H), jnp.float32),
            pltpu.VMEM_SHARED((NPAD, H), jnp.float32),
            pltpu.VMEM_SHARED((N, H), jnp.float32),
        ]
        + [pltpu.SemaphoreType.DMA for _ in range(3)]
        + [pltpu.SemaphoreType.DMA for _ in range(2)]
        + [pltpu.SemaphoreType.DMA for _ in range(2)]
        + [pltpu.SemaphoreType.DMA]
    ),
    compiler_params=_sc_params,
)
def _agg_kernel(y_hbm, edge_hbm, out_hbm, *refs):
    c = lax.axis_index("c")
    s = lax.axis_index("s")
    wid = s * NC + c
    sidx = refs[0:NBUF]
    didx = refs[NBUF:2 * NBUF]
    rows = refs[2 * NBUF:3 * NBUF]
    buf_v, acc_sh, ytab_sh = refs[3 * NBUF:3 * NBUF + 3]
    semI = refs[3 * NBUF + 3:3 * NBUF + 6]
    semG = refs[3 * NBUF + 6:3 * NBUF + 8]
    semS = refs[3 * NBUF + 8:3 * NBUF + 10]
    semT = refs[3 * NBUF + 10]

    base = wid * EW
    NT = N // NS
    stage = pltpu.async_copy(
        y_hbm.at[pl.ds(s * NT, NT)], ytab_sh.at[pl.ds(s * NT, NT)], semT)

    def load_idx(j):
        sem = semI[j % 3]
        b = j % NBUF
        a1 = pltpu.async_copy(
            edge_hbm.at[0, pl.ds(base + j * CHUNK, CHUNK)], sidx[b], sem)
        a2 = pltpu.async_copy(
            edge_hbm.at[1, pl.ds(base + j * CHUNK, CHUNK)], didx[b], sem)
        return (a1, a2)

    def gather(j):
        return pltpu.async_copy(
            ytab_sh.at[sidx[j % NBUF]], rows[j % NBUF], semG[j % 2])

    def scatter(j):
        return pltpu.async_copy(
            rows[j % NBUF], acc_sh.at[didx[j % NBUF]], semS[j % 2], add=True)

    pend_ld = {0: load_idx(0), 1: load_idx(1)}

    def fill_zero(i, _):
        buf_v[i, :] = jnp.zeros((16,), jnp.float32)
        return 0

    lax.fori_loop(0, RPT, fill_zero, 0)
    pltpu.sync_copy(buf_v, acc_sh.at[pl.ds(s * RPT, RPT)])
    stage.wait()
    plsc.subcore_barrier()

    a1, a2 = pend_ld.pop(0)
    a1.wait()
    a2.wait()
    g = gather(0)
    pend_sc = {}
    for j in range(NCHUNK):
        g.wait()
        pend_sc[j] = scatter(j)
        if j + 1 < NCHUNK:
            a1, a2 = pend_ld.pop(j + 1)
            a1.wait()
            a2.wait()
            g = gather(j + 1)
        if j + 2 < NCHUNK:
            pend_sc.pop(j).wait()
            pend_ld[j + 2] = load_idx(j + 2)
    for j in sorted(pend_sc):
        pend_sc[j].wait()

    plsc.subcore_barrier()
    pltpu.sync_copy(acc_sh.at[pl.ds(s * RPT, RPT)], buf_v)
    pltpu.sync_copy(buf_v, out_hbm.at[c, pl.ds(s * RPT, RPT)])


NP8 = N // 8
NPAD8 = NPAD // 8


def _dinvp(degp_ref):
    deg = degp_ref[0, :NP8, :] + degp_ref[1, :NP8, :] + 1.0
    return lax.rsqrt(deg)


def _mm_body(xf_ref, w1bd_ref, xw_ref):
    xw_ref[...] = jnp.dot(xf_ref[...], w1bd_ref[...],
                          preferred_element_type=jnp.float32)


def _scale_body(degp_ref, xw_ref, y1_ref):
    y1_ref[...] = xw_ref[...] * _dinvp(degp_ref)


def _mid_body(degp_ref, acc_ref, y1_ref, w2bd_ref, b1t_ref, h_ref, y2_ref):
    dinvp = _dinvp(degp_ref)
    acc = acc_ref[0, :NP8, :] + acc_ref[1, :NP8, :] + y1_ref[...]
    h = jnp.maximum(acc * dinvp + b1t_ref[0, :][None, :], 0.0)
    h_ref[...] = h
    hw = jnp.dot(h, w2bd_ref[...], preferred_element_type=jnp.float32)
    y2_ref[...] = hw * dinvp


def _fin_body(degp_ref, acc_ref, y2_ref, b2t_ref, z_ref):
    acc = acc_ref[0, :NP8, :] + acc_ref[1, :NP8, :] + y2_ref[...]
    z_ref[...] = acc * _dinvp(degp_ref) + b2t_ref[0, :][None, :]


_mm_call = pl.pallas_call(
    _mm_body, out_shape=jax.ShapeDtypeStruct((NP8, 128), jnp.float32))
_scale_call = pl.pallas_call(
    _scale_body, out_shape=jax.ShapeDtypeStruct((NP8, 128), jnp.float32))
_mid_call = pl.pallas_call(
    _mid_body,
    out_shape=[jax.ShapeDtypeStruct((NP8, 128), jnp.float32),
               jax.ShapeDtypeStruct((NP8, 128), jnp.float32)])
_fin_call = pl.pallas_call(
    _fin_body, out_shape=jax.ShapeDtypeStruct((NP8, 128), jnp.float32))


def kernel(x, edge_index, W1, b1, W2, b2):
    eye8 = jnp.eye(8, dtype=jnp.float32)
    w1bd = jnp.kron(eye8, W1)
    w2p = jnp.zeros((H, H), jnp.float32).at[:, :C].set(W2)
    w2bd = jnp.kron(eye8, w2p)
    b1t = jnp.tile(b1, 8).reshape(1, 128)
    b2t = jnp.tile(jnp.zeros((H,), jnp.float32).at[:C].set(b2), 8)
    b2t = b2t.reshape(1, 128)
    xf = x.reshape(NP8, 8 * D)

    degp = _deg_kernel(edge_index)
    xwp = _mm_call(xf, w1bd)
    degp_p = degp.reshape(NC, NPAD8, 128)
    y1p = _scale_call(degp_p, xwp)
    acc1 = _agg_kernel(y1p.reshape(N, H), edge_index)
    h_p, y2p = _mid_call(degp_p, acc1.reshape(NC, NPAD8, 128), y1p,
                         w2bd, b1t)
    acc2 = _agg_kernel(y2p.reshape(N, H), edge_index)
    zp = _fin_call(degp_p, acc2.reshape(NC, NPAD8, 128), y2p, b2t)
    return (h_p.reshape(N, H), zp.reshape(N, H)[:, :C])

# --- scband reference (transcript-rebuilt; emitter-appended) ---
"""Pipeline reference for scband-gcn-54262616818367 (READ-ONLY COPY).

The authoritative reference and input builder live on the scoring server;
editing this copy changes nothing except your own understanding.
"""

import jax, jax.numpy as jnp
import numpy as np

N = 10000
E = 320000
D = 128
H = 16
C = 7


def setup_inputs(seed: int = 0) -> dict:
    key = jax.random.key(seed)
    k1, k2, k3, k4, k5, k6 = jax.random.split(key, 6)
    x = jax.random.normal(k1, (N, D), dtype=jnp.float32)
    edge_index = jax.random.randint(k2, (2, E), 0, N, dtype=jnp.int32)
    # GCNConv params (glorot-ish init)
    W1 = jax.random.normal(k3, (D, H), dtype=jnp.float32) * (1.0 / np.sqrt(D))
    b1 = jnp.zeros((H,), dtype=jnp.float32)
    W2 = jax.random.normal(k4, (H, C), dtype=jnp.float32) * (1.0 / np.sqrt(H))
    b2 = jnp.zeros((C,), dtype=jnp.float32)
    return {"x": x, "edge_index": edge_index, "W1": W1, "b1": b1, "W2": W2, "b2": b2}


def _gcn_conv(x, W, b, edge_index, num_nodes):
    # PyG GCNConv: add self-loops, symmetric normalization D^-1/2 (A+I) D^-1/2, then XW + b
    src = edge_index[0]
    dst = edge_index[1]
    loop = jnp.arange(num_nodes, dtype=src.dtype)
    s = jnp.concatenate([src, loop])
    d = jnp.concatenate([dst, loop])
    xw = x @ W
    ones = jnp.ones(s.shape[0], dtype=xw.dtype)
    deg = jax.ops.segment_sum(ones, d, num_segments=num_nodes)
    dinv = jnp.where(deg > 0, 1.0 / jnp.sqrt(deg), 0.0)
    norm = dinv[s] * dinv[d]
    msgs = xw[s] * norm[:, None]
    out = jax.ops.segment_sum(msgs, d, num_segments=num_nodes)
    return out + b


def reference(x, edge_index, W1, b1, W2, b2):
    h = jax.nn.relu(_gcn_conv(x, W1, b1, edge_index, N))
    z = _gcn_conv(h, W2, b2, edge_index, N)
    return (h, z)

if __name__ == "__main__":
    import jax
    _d = setup_inputs()
    print(jax.jit(kernel)(*tuple(_d.values())))

</pallas_src>

<mosaic_0001>
#map = affine_map<(d0, d1) -> (0, 0)>
#map1 = affine_map<(d0, d1) -> (0, 0, 0)>
module attributes {stable_mosaic.version = 14 : i64} {
  func.func @_deg_kernel(%arg0: i32, %arg1: i32, %arg2: memref<2x320000xi32, #tpu.memory_space<hbm>>, %arg3: memref<2x10240x16xf32, #tpu.memory_space<hbm>>, %arg4: memref<10000xi32, #tpu.memory_space<vmem>>, %arg5: memref<10000xf32, #tpu.memory_space<vmem>>, %arg6: memref<640xf32, #tpu.memory_space<vmem>>, %arg7: memref<640x16xf32, #tpu.memory_space<vmem>>, %arg8: memref<10240xf32, #tpu.memory_space<vmem_shared>>, %arg9: memref<!tpu.dma_semaphore, #tpu.memory_space<semaphore_mem>>) attributes {dimension_semantics = [#tpu.dimension_semantics<core_parallel>, #tpu.dimension_semantics<subcore_parallel>], iteration_bounds = array<i64: 2, 16>, scalar_prefetch = 0 : i64, scratch_operands = 6 : i64, tpu.core_type = #tpu.core_type<sc_vector_subcore>, window_params = [{transform_indices = #map}, {transform_indices = #map1}]} {
    %mul3A = arith.constant 2 : i32
    %mul3A_0 = arith.muli %arg1, %mul3A : i32
    %add3A = arith.addi %mul3A_0, %arg0 : i32
    %mul3A_1 = arith.constant 10000 : i32
    %mul3A_2 = arith.muli %add3A, %mul3A_1 : i32
    %dma_start3A = arith.constant 1 : i32
    %dma_start3A_3 = tpu.memref_slice %arg2[%dma_start3A, %mul3A_2] : memref<2x320000xi32, #tpu.memory_space<hbm>> -> memref<1x10000xi32, #tpu.memory_space<hbm>>
    %dma_start3A_4 = tpu.memref_squeeze %dma_start3A_3 : memref<1x10000xi32, #tpu.memory_space<hbm>> -> memref<10000xi32, #tpu.memory_space<hbm>>
    %dma_start3A_5 = tpu.memref_slice %arg2[%dma_start3A, %mul3A_2] : memref<2x320000xi32, #tpu.memory_space<hbm>> -> memref<1x10000xi32, #tpu.memory_space<hbm>>
    %dma_start3A_6 = tpu.memref_squeeze %dma_start3A_5 : memref<1x10000xi32, #tpu.memory_space<hbm>> -> memref<10000xi32, #tpu.memory_space<hbm>>
    tpu.enqueue_dma source(%dma_start3A_6 : memref<10000xi32, #tpu.memory_space<hbm>>) target(%arg4 : memref<10000xi32, #tpu.memory_space<vmem>>) target_semaphore(%arg9 : memref<!tpu.dma_semaphore, #tpu.memory_space<semaphore_mem>>)
    %broadcast_in_dim3A = arith.constant 1.000000e+00 : f32
    %broadcast_in_dim3A_7 = vector.broadcast %broadcast_in_dim3A : f32 to vector<16xf32>
    %scan3A = arith.constant 0 : i32
    %scan3A_8 = arith.constant 0 : i32
    %scan3A_9 = arith.constant 625 : i32
    %scan3A_10 = arith.addi %scan3A_8, %scan3A_9 : i32
    %scan3A_11 = arith.constant 1 : i32
    %scan3A_12 = scf.for %scan3A_41 = %scan3A_8 to %scan3A_10 step %scan3A_11 iter_args(%scan3A_42 = %scan3A) -> (i32)  : i32 {
      %mul3A_43 = arith.constant 16 : i32
      %mul3A_44 = arith.muli %scan3A_41, %mul3A_43 : i32
      %swap3A = arith.index_cast %mul3A_44 : i32 to index
      %swap3A_45 = tpu.vector_load %arg5[%swap3A] {strides = array<i32>} : memref<10000xf32, #tpu.memory_space<vmem>>, vector<16xf32>,
      %swap3A_46 = vector.shape_cast %swap3A_45 : vector<16xf32> to vector<16xf32>
      %swap3A_47 = vector.shape_cast %broadcast_in_dim3A_7 : vector<16xf32> to vector<16xf32>
      tpu.vector_store %arg5[%swap3A], %swap3A_47 {strides = array<i32>} : memref<10000xf32, #tpu.memory_space<vmem>>, vector<16xf32>,
      %scan3A_48 = arith.constant 0 : i32
      scf.yield %scan3A_48 : i32
    }
    %scan3A_13 = arith.constant 625 : i32
    %broadcast_in_dim3A_14 = arith.constant 0.000000e+00 : f32
    %broadcast_in_dim3A_15 = vector.broadcast %broadcast_in_dim3A_14 : f32 to vector<16xf32>
    %scan3A_16 = arith.constant 0 : i32
    %scan3A_17 = arith.constant 0 : i32
    %scan3A_18 = arith.constant 40 : i32
    %scan3A_19 = arith.addi %scan3A_17, %scan3A_18 : i32
    %scan3A_20 = arith.constant 1 : i32
    %scan3A_21 = scf.for %scan3A_41 = %scan3A_17 to %scan3A_19 step %scan3A_20 iter_args(%scan3A_42 = %scan3A_16) -> (i32)  : i32 {
      %mul3A_43 = arith.constant 16 : i32
      %mul3A_44 = arith.muli %scan3A_41, %mul3A_43 : i32
      %swap3A = arith.index_cast %mul3A_44 : i32 to index
      %swap3A_45 = tpu.vector_load %arg6[%swap3A] {strides = array<i32>} : memref<640xf32, #tpu.memory_space<vmem>>, vector<16xf32>,
      %swap3A_46 = vector.shape_cast %swap3A_45 : vector<16xf32> to vector<16xf32>
      %swap3A_47 = vector.shape_cast %broadcast_in_dim3A_15 : vector<16xf32> to vector<16xf32>
      tpu.vector_store %arg6[%swap3A], %swap3A_47 {strides = array<i32>} : memref<640xf32, #tpu.memory_space<vmem>>, vector<16xf32>,
      %scan3A_48 = arith.constant 0 : i32
      scf.yield %scan3A_48 : i32
    }
    %scan3A_22 = arith.constant 40 : i32
    %mul3A_23 = arith.constant 640 : i32
    %mul3A_24 = arith.muli %arg1, %mul3A_23 : i32
    "tpu.region"() ({
      %run_scoped3A = tpu.sem_alloc : memref<!tpu.dma_semaphore, #tpu.memory_space<semaphore_mem>>
      %dma_start3A_41 = tpu.memref_slice %arg8[%mul3A_24] : memref<10240xf32, #tpu.memory_space<vmem_shared>> -> memref<640xf32, #tpu.memory_space<vmem_shared>>
      %dma_start3A_42 = tpu.memref_slice %arg8[%mul3A_24] : memref<10240xf32, #tpu.memory_space<vmem_shared>> -> memref<640xf32, #tpu.memory_space<vmem_shared>>
      tpu.enqueue_dma source(%arg6 : memref<640xf32, #tpu.memory_space<vmem>>) target(%dma_start3A_42 : memref<640xf32, #tpu.memory_space<vmem_shared>>) target_semaphore(%run_scoped3A : memref<!tpu.dma_semaphore, #tpu.memory_space<semaphore_mem>>)
      %dma_wait3A_43 = tpu.memref_slice %arg8[%mul3A_24] : memref<10240xf32, #tpu.memory_space<vmem_shared>> -> memref<640xf32, #tpu.memory_space<vmem_shared>>
      %dma_wait3A_44 = tpu.memref_slice %arg8[%mul3A_24] : memref<10240xf32, #tpu.memory_space<vmem_shared>> -> memref<640xf32, #tpu.memory_space<vmem_shared>>
      tpu.wait_dma2 semaphore(%run_scoped3A : memref<!tpu.dma_semaphore, #tpu.memory_space<semaphore_mem>>) src(%arg6 : memref<640xf32, #tpu.memory_space<vmem>>) dst(%dma_wait3A_44 : memref<640xf32, #tpu.memory_space<vmem_shared>>)
      tpu.yield
    }) : () -> ()
    %barrier3A = arith.constant 0 : index
    tpu.barrier barrier_id(%barrier3A)
    %dma_wait3A = arith.constant 1 : i32
    %dma_wait3A_25 = tpu.memref_slice %arg2[%dma_wait3A, %mul3A_2] : memref<2x320000xi32, #tpu.memory_space<hbm>> -> memref<1x10000xi32, #tpu.memory_space<hbm>>
    %dma_wait3A_26 = tpu.memref_squeeze %dma_wait3A_25 : memref<1x10000xi32, #tpu.memory_space<hbm>> -> memref<10000xi32, #tpu.memory_space<hbm>>
    %dma_wait3A_27 = tpu.memref_slice %arg2[%dma_wait3A, %mul3A_2] : memref<2x320000xi32, #tpu.memory_space<hbm>> -> memref<1x10000xi32, #tpu.memory_space<hbm>>
    %dma_wait3A_28 = tpu.memref_squeeze %dma_wait3A_27 : memref<1x10000xi32, #tpu.memory_space<hbm>> -> memref<10000xi32, #tpu.memory_space<hbm>>
    tpu.wait_dma2 semaphore(%arg9 : memref<!tpu.dma_semaphore, #tpu.memory_space<semaphore_mem>>) src(%dma_wait3A_28 : memref<10000xi32, #tpu.memory_space<hbm>>) dst(%arg4 : memref<10000xi32, #tpu.memory_space<vmem>>)
    "tpu.region"() ({
      %run_scoped3A = tpu.sem_alloc : memref<!tpu.dma_semaphore, #tpu.memory_space<semaphore_mem>>
      %dma_start3A_41 = arith.constant 0 : i32
      %dma_start3A_42 = tpu.memref_slice %arg8[%dma_start3A_41] : memref<10240xf32, #tpu.memory_space<vmem_shared>> -> memref<10240xf32, #tpu.memory_space<vmem_shared>>
      tpu.enqueue_indirect_dma source(%arg5 : memref<10000xf32, #tpu.memory_space<vmem>>) target(%dma_start3A_42 : memref<10240xf32, #tpu.memory_space<vmem_shared>>) offsets(%arg4 : memref<10000xi32, #tpu.memory_space<vmem>>) semaphore(%run_scoped3A : memref<!tpu.dma_semaphore, #tpu.memory_space<semaphore_mem>>) {add = true}
      %dma_wait3A_43 = arith.constant 0 : i32
      %dma_wait3A_44 = tpu.memref_slice %arg8[%dma_wait3A_43] : memref<10240xf32, #tpu.memory_space<vmem_shared>> -> memref<10240xf32, #tpu.memory_space<vmem_shared>>
      tpu.wait_indirect_dma semaphore(%run_scoped3A : memref<!tpu.dma_semaphore, #tpu.memory_space<semaphore_mem>>) src(%arg5 : memref<10000xf32, #tpu.memory_space<vmem>>) dst(%dma_wait3A_44 : memref<10240xf32, #tpu.memory_space<vmem_shared>>)
      tpu.yield
    }) : () -> ()
    %barrier3A_29 = arith.constant 0 : index
    tpu.barrier barrier_id(%barrier3A_29)
    %mul3A_30 = arith.constant 640 : i32
    %mul3A_31 = arith.muli %arg1, %mul3A_30 : i32
    "tpu.region"() ({
      %run_scoped3A = tpu.sem_alloc : memref<!tpu.dma_semaphore, #tpu.memory_space<semaphore_mem>>
      %dma_start3A_41 = tpu.memref_slice %arg8[%mul3A_31] : memref<10240xf32, #tpu.memory_space<vmem_shared>> -> memref<640xf32, #tpu.memory_space<vmem_shared>>
      %dma_start3A_42 = tpu.memref_slice %arg8[%mul3A_31] : memref<10240xf32, #tpu.memory_space<vmem_shared>> -> memref<640xf32, #tpu.memory_space<vmem_shared>>
      tpu.enqueue_dma source(%dma_start3A_42 : memref<640xf32, #tpu.memory_space<vmem_shared>>) target(%arg6 : memref<640xf32, #tpu.memory_space<vmem>>) target_semaphore(%run_scoped3A : memref<!tpu.dma_semaphore, #tpu.memory_space<semaphore_mem>>)
      %dma_wait3A_43 = tpu.memref_slice %arg8[%mul3A_31] : memref<10240xf32, #tpu.memory_space<vmem_shared>> -> memref<640xf32, #tpu.memory_space<vmem_shared>>
      %dma_wait3A_44 = tpu.memref_slice %arg8[%mul3A_31] : memref<10240xf32, #tpu.memory_space<vmem_shared>> -> memref<640xf32, #tpu.memory_space<vmem_shared>>
      tpu.wait_dma2 semaphore(%run_scoped3A : memref<!tpu.dma_semaphore, #tpu.memory_space<semaphore_mem>>) src(%dma_wait3A_44 : memref<640xf32, #tpu.memory_space<vmem_shared>>) dst(%arg6 : memref<640xf32, #tpu.memory_space<vmem>>)
      tpu.yield
    }) : () -> ()
    %scan3A_32 = arith.constant 0 : i32
    %scan3A_33 = arith.constant 0 : i32
    %scan3A_34 = arith.constant 40 : i32
    %scan3A_35 = arith.addi %scan3A_33, %scan3A_34 : i32
    %scan3A_36 = arith.constant 1 : i32
    %scan3A_37 = scf.for %scan3A_41 = %scan3A_33 to %scan3A_35 step %scan3A_36 iter_args(%scan3A_42 = %scan3A_32) -> (i32)  : i32 {
      %mul3A_43 = arith.constant 16 : i32
      %mul3A_44 = arith.muli %scan3A_41, %mul3A_43 : i32
      %get3A = arith.index_cast %mul3A_44 : i32 to index
      %get3A_45 = tpu.vector_load %arg6[%get3A] {strides = array<i32>} : memref<640xf32, #tpu.memory_space<vmem>>, vector<16xf32>,
      %get3A_46 = vector.shape_cast %get3A_45 : vector<16xf32> to vector<16xf32>
      %slice3A = vector.extract_strided_slice %get3A_46 {offsets = [0], sizes = [1], strides = [1]} : vector<16xf32> to vector<1xf32>
      %squeeze3A = vector.extract %slice3A[0] : f32 from vector<1xf32>
      %broadcast_in_dim3A_47 = vector.broadcast %squeeze3A : f32 to vector<16xf32>
      %mul3A_48 = arith.constant 16 : i32
      %mul3A_49 = arith.muli %scan3A_41, %mul3A_48 : i32
      %add3A_50 = arith.constant 0 : i32
      %add3A_51 = arith.addi %mul3A_49, %add3A_50 : i32
      %swap3A = arith.index_cast %add3A_51 : i32 to index
      %swap3A_52 = arith.constant 0 : index
      %swap3A_53 = tpu.vector_load %arg7[%swap3A, %swap3A_52] {strides = array<i32>} : memref<640x16xf32, #tpu.memory_space<vmem>>, vector<1x16xf32>,
      %swap3A_54 = vector.shape_cast %swap3A_53 : vector<1x16xf32> to vector<16xf32>
      %swap3A_55 = vector.shape_cast %broadcast_in_dim3A_47 : vector<16xf32> to vector<1x16xf32>
      tpu.vector_store %arg7[%swap3A, %swap3A_52], %swap3A_55 {strides = array<i32>} : memref<640x16xf32, #tpu.memory_space<vmem>>, vector<1x16xf32>,
      %slice3A_56 = vector.extract_strided_slice %get3A_46 {offsets = [1], sizes = [1], strides = [1]} : vector<16xf32> to vector<1xf32>
      %squeeze3A_57 = vector.extract %slice3A_56[0] : f32 from vector<1xf32>
      %broadcast_in_dim3A_58 = vector.broadcast %squeeze3A_57 : f32 to vector<16xf32>
      %mul3A_59 = arith.constant 16 : i32
      %mul3A_60 = arith.muli %scan3A_41, %mul3A_59 : i32
      %add3A_61 = arith.constant 1 : i32
      %add3A_62 = arith.addi %mul3A_60, %add3A_61 : i32
      %swap3A_63 = arith.index_cast %add3A_62 : i32 to index
      %swap3A_64 = arith.constant 0 : index
      %swap3A_65 = tpu.vector_load %arg7[%swap3A_63, %swap3A_64] {strides = array<i32>} : memref<640x16xf32, #tpu.memory_space<vmem>>, vector<1x16xf32>,
      %swap3A_66 = vector.shape_cast %swap3A_65 : vector<1x16xf32> to vector<16xf32>
      %swap3A_67 = vector.shape_cast %broadcast_in_dim3A_58 : vector<16xf32> to vector<1x16xf32>
      tpu.vector_store %arg7[%swap3A_63, %swap3A_64], %swap3A_67 {strides = array<i32>} : memref<640x16xf32, #tpu.memory_space<vmem>>, vector<1x16xf32>,
      %slice3A_68 = vector.extract_strided_slice %get3A_46 {offsets = [2], sizes = [1], strides = [1]} : vector<16xf32> to vector<1xf32>
      %squeeze3A_69 = vector.extract %slice3A_68[0] : f32 from vector<1xf32>
      %broadcast_in_dim3A_70 = vector.broadcast %squeeze3A_69 : f32 to vector<16xf32>
      %mul3A_71 = arith.constant 16 : i32
      %mul3A_72 = arith.muli %scan3A_41, %mul3A_71 : i32
      %add3A_73 = arith.constant 2 : i32
      %add3A_74 = arith.addi %mul3A_72, %add3A_73 : i32
      %swap3A_75 = arith.index_cast %add3A_74 : i32 to index
      %swap3A_76 = arith.constant 0 : index
      %swap3A_77 = tpu.vector_load %arg7[%swap3A_75, %swap3A_76] {strides = array<i32>} : memref<640x16xf32, #tpu.memory_space<vmem>>, vector<1x16xf32>,
      %swap3A_78 = vector.shape_cast %swap3A_77 : vector<1x16xf32> to vector<16xf32>
      %swap3A_79 = vector.shape_cast %broadcast_in_dim3A_70 : vector<16xf32> to vector<1x16xf32>
      tpu.vector_store %arg7[%swap3A_75, %swap3A_76], %swap3A_79 {strides = array<i32>} : memref<640x16xf32, #tpu.memory_space<vmem>>, vector<1x16xf32>,
      %slice3A_80 = vector.extract_strided_slice %get3A_46 {offsets = [3], sizes = [1], strides = [1]} : vector<16xf32> to vector<1xf32>
      %squeeze3A_81 = vector.extract %slice3A_80[0] : f32 from vector<1xf32>
      %broadcast_in_dim3A_82 = vector.broadcast %squeeze3A_81 : f32 to vector<16xf32>
      %mul3A_83 = arith.constant 16 : i32
      %mul3A_84 = arith.muli %scan3A_41, %mul3A_83 : i32
      %add3A_85 = arith.constant 3 : i32
      %add3A_86 = arith.addi %mul3A_84, %add3A_85 : i32
      %swap3A_87 = arith.index_cast %add3A_86 : i32 to index
      %swap3A_88 = arith.constant 0 : index
      %swap3A_89 = tpu.vector_load %arg7[%swap3A_87, %swap3A_88] {strides = array<i32>} : memref<640x16xf32, #tpu.memory_space<vmem>>, vector<1x16xf32>,
      %swap3A_90 = vector.shape_cast %swap3A_89 : vector<1x16xf32> to vector<16xf32>
      %swap3A_91 = vector.shape_cast %broadcast_in_dim3A_82 : vector<16xf32> to vector<1x16xf32>
      tpu.vector_store %arg7[%swap3A_87, %swap3A_88], %swap3A_91 {strides = array<i32>} : memref<640x16xf32, #tpu.memory_space<vmem>>, vector<1x16xf32>,
      %slice3A_92 = vector.extract_strided_slice %get3A_46 {offsets = [4], sizes = [1], strides = [1]} : vector<16xf32> to vector<1xf32>
      %squeeze3A_93 = vector.extract %slice3A_92[0] : f32 from vector<1xf32>
      %broadcast_in_dim3A_94 = vector.broadcast %squeeze3A_93 : f32 to vector<16xf32>
      %mul3A_95 = arith.constant 16 : i32
      %mul3A_96 = arith.muli %scan3A_41, %mul3A_95 : i32
      %add3A_97 = arith.constant 4 : i32
      %add3A_98 = arith.addi %mul3A_96, %add3A_97 : i32
      %swap3A_99 = arith.index_cast %add3A_98 : i32 to index
      %swap3A_100 = arith.constant 0 : index
      %swap3A_101 = tpu.vector_load %arg7[%swap3A_99, %swap3A_100] {strides = array<i32>} : memref<640x16xf32, #tpu.memory_space<vmem>>, vector<1x16xf32>,
      %swap3A_102 = vector.shape_cast %swap3A_101 : vector<1x16xf32> to vector<16xf32>
      %swap3A_103 = vector.shape_cast %broadcast_in_dim3A_94 : vector<16xf32> to vector<1x16xf32>
      tpu.vector_store %arg7[%swap3A_99, %swap3A_100], %swap3A_103 {strides = array<i32>} : memref<640x16xf32, #tpu.memory_space<vmem>>, vector<1x16xf32>,
      %slice3A_104 = vector.extract_strided_slice %get3A_46 {offsets = [5], sizes = [1], strides = [1]} : vector<16xf32> to vector<1xf32>
      %squeeze3A_105 = vector.extract %slice3A_104[0] : f32 from vector<1xf32>
      %broadcast_in_dim3A_106 = vector.broadcast %squeeze3A_105 : f32 to vector<16xf32>
      %mul3A_107 = arith.constant 16 : i32
      %mul3A_108 = arith.muli %scan3A_41, %mul3A_107 : i32
      %add3A_109 = arith.constant 5 : i32
      %add3A_110 = arith.addi %mul3A_108, %add3A_109 : i32
      %swap3A_111 = arith.index_cast %add3A_110 : i32 to index
      %swap3A_112 = arith.constant 0 : index
      %swap3A_113 = tpu.vector_load %arg7[%swap3A_111, %swap3A_112] {strides = array<i32>} : memref<640x16xf32, #tpu.memory_space<vmem>>, vector<1x16xf32>,
      %swap3A_114 = vector.shape_cast %swap3A_113 : vector<1x16xf32> to vector<16xf32>
      %swap3A_115 = vector.shape_cast %broadcast_in_dim3A_106 : vector<16xf32> to vector<1x16xf32>
      tpu.vector_store %arg7[%swap3A_111, %swap3A_112], %swap3A_115 {strides = array<i32>} : memref<640x16xf32, #tpu.memory_space<vmem>>, vector<1x16xf32>,
      %slice3A_116 = vector.extract_strided_slice %get3A_46 {offsets = [6], sizes = [1], strides = [1]} : vector<16xf32> to vector<1xf32>
      %squeeze3A_117 = vector.extract %slice3A_116[0] : f32 from vector<1xf32>
      %broadcast_in_dim3A_118 = vector.broadcast %squeeze3A_117 : f32 to vector<16xf32>
      %mul3A_119 = arith.constant 16 : i32
      %mul3A_120 = arith.muli %scan3A_41, %mul3A_119 : i32
      %add3A_121 = arith.constant 6 : i32
      %add3A_122 = arith.addi %mul3A_120, %add3A_121 : i32
      %swap3A_123 = arith.index_cast %add3A_122 : i32 to index
      %swap3A_124 = arith.constant 0 : index
      %swap3A_125 = tpu.vector_load %arg7[%swap3A_123, %swap3A_124] {strides = array<i32>} : memref<640x16xf32, #tpu.memory_space<vmem>>, vector<1x16xf32>,
      %swap3A_126 = vector.shape_cast %swap3A_125 : vector<1x16xf32> to vector<16xf32>
      %swap3A_127 = vector.shape_cast %broadcast_in_dim3A_118 : vector<16xf32> to vector<1x16xf32>
      tpu.vector_store %arg7[%swap3A_123, %swap3A_124], %swap3A_127 {strides = array<i32>} : memref<640x16xf32, #tpu.memory_space<vmem>>, vector<1x16xf32>,
      %slice3A_128 = vector.extract_strided_slice %get3A_46 {offsets = [7], sizes = [1], strides = [1]} : vector<16xf32> to vector<1xf32>
      %squeeze3A_129 = vector.extract %slice3A_128[0] : f32 from vector<1xf32>
      %broadcast_in_dim3A_130 = vector.broadcast %squeeze3A_129 : f32 to vector<16xf32>
      %mul3A_131 = arith.constant 16 : i32
      %mul3A_132 = arith.muli %scan3A_41, %mul3A_131 : i32
      %add3A_133 = arith.constant 7 : i32
      %add3A_134 = arith.addi %mul3A_132, %add3A_133 : i32
      %swap3A_135 = arith.index_cast %add3A_134 : i32 to index
      %swap3A_136 = arith.constant 0 : index
      %swap3A_137 = tpu.vector_load %arg7[%swap3A_135, %swap3A_136] {strides = array<i32>} : memref<640x16xf32, #tpu.memory_space<vmem>>, vector<1x16xf32>,
      %swap3A_138 = vector.shape_cast %swap3A_137 : vector<1x16xf32> to vector<16xf32>
      %swap3A_139 = vector.shape_cast %broadcast_in_dim3A_130 : vector<16xf32> to vector<1x16xf32>
      tpu.vector_store %arg7[%swap3A_135, %swap3A_136], %swap3A_139 {strides = array<i32>} : memref<640x16xf32, #tpu.memory_space<vmem>>, vector<1x16xf32>,
      %slice3A_140 = vector.extract_strided_slice %get3A_46 {offsets = [8], sizes = [1], strides = [1]} : vector<16xf32> to vector<1xf32>
      %squeeze3A_141 = vector.extract %slice3A_140[0] : f32 from vector<1xf32>
      %broadcast_in_dim3A_142 = vector.broadcast %squeeze3A_141 : f32 to vector<16xf32>
      %mul3A_143 = arith.constant 16 : i32
      %mul3A_144 = arith.muli %scan3A_41, %mul3A_143 : i32
      %add3A_145 = arith.constant 8 : i32
      %add3A_146 = arith.addi %mul3A_144, %add3A_145 : i32
      %swap3A_147 = arith.index_cast %add3A_146 : i32 to index
      %swap3A_148 = arith.constant 0 : index
      %swap3A_149 = tpu.vector_load %arg7[%swap3A_147, %swap3A_148] {strides = array<i32>} : memref<640x16xf32, #tpu.memory_space<vmem>>, vector<1x16xf32>,
      %swap3A_150 = vector.shape_cast %swap3A_149 : vector<1x16xf32> to vector<16xf32>
      %swap3A_151 = vector.shape_cast %broadcast_in_dim3A_142 : vector<16xf32> to vector<1x16xf32>
      tpu.vector_store %arg7[%swap3A_147, %swap3A_148], %swap3A_151 {strides = array<i32>} : memref<640x16xf32, #tpu.memory_space<vmem>>, vector<1x16xf32>,
      %slice3A_152 = vector.extract_strided_slice %get3A_46 {offsets = [9], sizes = [1], strides = [1]} : vector<16xf32> to vector<1xf32>
      %squeeze3A_153 = vector.extract %slice3A_152[0] : f32 from vector<1xf32>
      %broadcast_in_dim3A_154 = vector.broadcast %squeeze3A_153 : f32 to vector<16xf32>
      %mul3A_155 = arith.constant 16 : i32
      %mul3A_156 = arith.muli %scan3A_41, %mul3A_155 : i32
      %add3A_157 = arith.constant 9 : i32
      %add3A_158 = arith.addi %mul3A_156, %add3A_157 : i32
      %swap3A_159 = arith.index_cast %add3A_158 : i32 to index
      %swap3A_160 = arith.constant 0 : index
      %swap3A_161 = tpu.vector_load %arg7[%swap3A_159, %swap3A_160] {strides = array<i32>} : memref<640x16xf32, #tpu.memory_space<vmem>>, vector<1x16xf32>,
      %swap3A_162 = vector.shape_cast %swap3A_161 : vector<1x16xf32> to vector<16xf32>
      %swap3A_163 = vector.shape_cast %broadcast_in_dim3A_154 : vector<16xf32> to vector<1x16xf32>
      tpu.vector_store %arg7[%swap3A_159, %swap3A_160], %swap3A_163 {strides = array<i32>} : memref<640x16xf32, #tpu.memory_space<vmem>>, vector<1x16xf32>,
      %slice3A_164 = vector.extract_strided_slice %get3A_46 {offsets = [10], sizes = [1], strides = [1]} : vector<16xf32> to vector<1xf32>
      %squeeze3A_165 = vector.extract %slice3A_164[0] : f32 from vector<1xf32>
      %broadcast_in_dim3A_166 = vector.broadcast %squeeze3A_165 : f32 to vector<16xf32>
      %mul3A_167 = arith.constant 16 : i32
      %mul3A_168 = arith.muli %scan3A_41, %mul3A_167 : i32
      %add3A_169 = arith.constant 10 : i32
      %add3A_170 = arith.addi %mul3A_168, %add3A_169 : i32
      %swap3A_171 = arith.index_cast %add3A_170 : i32 to index
      %swap3A_172 = arith.constant 0 : index
      %swap3A_173 = tpu.vector_load %arg7[%swap3A_171, %swap3A_172] {strides = array<i32>} : memref<640x16xf32, #tpu.memory_space<vmem>>, vector<1x16xf32>,
      %swap3A_174 = vector.shape_cast %swap3A_173 : vector<1x16xf32> to vector<16xf32>
      %swap3A_175 = vector.shape_cast %broadcast_in_dim3A_166 : vector<16xf32> to vector<1x16xf32>
      tpu.vector_store %arg7[%swap3A_171, %swap3A_172], %swap3A_175 {strides = array<i32>} : memref<640x16xf32, #tpu.memory_space<vmem>>, vector<1x16xf32>,
      %slice3A_176 = vector.extract_strided_slice %get3A_46 {offsets = [11], sizes = [1], strides = [1]} : vector<16xf32> to vector<1xf32>
      %squeeze3A_177 = vector.extract %slice3A_176[0] : f32 from vector<1xf32>
      %broadcast_in_dim3A_178 = vector.broadcast %squeeze3A_177 : f32 to vector<16xf32>
      %mul3A_179 = arith.constant 16 : i32
      %mul3A_180 = arith.muli %scan3A_41, %mul3A_179 : i32
      %add3A_181 = arith.constant 11 : i32
      %add3A_182 = arith.addi %mul3A_180, %add3A_181 : i32
      %swap3A_183 = arith.index_cast %add3A_182 : i32 to index
      %swap3A_184 = arith.constant 0 : index
      %swap3A_185 = tpu.vector_load %arg7[%swap3A_183, %swap3A_184] {strides = array<i32>} : memref<640x16xf32, #tpu.memory_space<vmem>>, vector<1x16xf32>,
      %swap3A_186 = vector.shape_cast %swap3A_185 : vector<1x16xf32> to vector<16xf32>
      %swap3A_187 = vector.shape_cast %broadcast_in_dim3A_178 : vector<16xf32> to vector<1x16xf32>
      tpu.vector_store %arg7[%swap3A_183, %swap3A_184], %swap3A_187 {strides = array<i32>} : memref<640x16xf32, #tpu.memory_space<vmem>>, vector<1x16xf32>,
      %slice3A_188 = vector.extract_strided_slice %get3A_46 {offsets = [12], sizes = [1], strides = [1]} : vector<16xf32> to vector<1xf32>
      %squeeze3A_189 = vector.extract %slice3A_188[0] : f32 from vector<1xf32>
      %broadcast_in_dim3A_190 = vector.broadcast %squeeze3A_189 : f32 to vector<16xf32>
      %mul3A_191 = arith.constant 16 : i32
      %mul3A_192 = arith.muli %scan3A_41, %mul3A_191 : i32
      %add3A_193 = arith.constant 12 : i32
      %add3A_194 = arith.addi %mul3A_192, %add3A_193 : i32
      %swap3A_195 = arith.index_cast %add3A_194 : i32 to index
      %swap3A_196 = arith.constant 0 : index
      %swap3A_197 = tpu.vector_load %arg7[%swap3A_195, %swap3A_196] {strides = array<i32>} : memref<640x16xf32, #tpu.memory_space<vmem>>, vector<1x16xf32>,
      %swap3A_198 = vector.shape_cast %swap3A_197 : vector<1x16xf32> to vector<16xf32>
      %swap3A_199 = vector.shape_cast %broadcast_in_dim3A_190 : vector<16xf32> to vector<1x16xf32>
      tpu.vector_store %arg7[%swap3A_195, %swap3A_196], %swap3A_199 {strides = array<i32>} : memref<640x16xf32, #tpu.memory_space<vmem>>, vector<1x16xf32>,
      %slice3A_200 = vector.extract_strided_slice %get3A_46 {offsets = [13], sizes = [1], strides = [1]} : vector<16xf32> to vector<1xf32>
      %squeeze3A_201 = vector.extract %slice3A_200[0] : f32 from vector<1xf32>
      %broadcast_in_dim3A_202 = vector.broadcast %squeeze3A_201 : f32 to vector<16xf32>
      %mul3A_203 = arith.constant 16 : i32
      %mul3A_204 = arith.muli %scan3A_41, %mul3A_203 : i32
      %add3A_205 = arith.constant 13 : i32
      %add3A_206 = arith.addi %mul3A_204, %add3A_205 : i32
      %swap3A_207 = arith.index_cast %add3A_206 : i32 to index
      %swap3A_208 = arith.constant 0 : index
      %swap3A_209 = tpu.vector_load %arg7[%swap3A_207, %swap3A_208] {strides = array<i32>} : memref<640x16xf32, #tpu.memory_space<vmem>>, vector<1x16xf32>,
      %swap3A_210 = vector.shape_cast %swap3A_209 : vector<1x16xf32> to vector<16xf32>
      %swap3A_211 = vector.shape_cast %broadcast_in_dim3A_202 : vector<16xf32> to vector<1x16xf32>
      tpu.vector_store %arg7[%swap3A_207, %swap3A_208], %swap3A_211 {strides = array<i32>} : memref<640x16xf32, #tpu.memory_space<vmem>>, vector<1x16xf32>,
      %slice3A_212 = vector.extract_strided_slice %get3A_46 {offsets = [14], sizes = [1], strides = [1]} : vector<16xf32> to vector<1xf32>
      %squeeze3A_213 = vector.extract %slice3A_212[0] : f32 from vector<1xf32>
      %broadcast_in_dim3A_214 = vector.broadcast %squeeze3A_213 : f32 to vector<16xf32>
      %mul3A_215 = arith.constant 16 : i32
      %mul3A_216 = arith.muli %scan3A_41, %mul3A_215 : i32
      %add3A_217 = arith.constant 14 : i32
      %add3A_218 = arith.addi %mul3A_216, %add3A_217 : i32
      %swap3A_219 = arith.index_cast %add3A_218 : i32 to index
      %swap3A_220 = arith.constant 0 : index
      %swap3A_221 = tpu.vector_load %arg7[%swap3A_219, %swap3A_220] {strides = array<i32>} : memref<640x16xf32, #tpu.memory_space<vmem>>, vector<1x16xf32>,
      %swap3A_222 = vector.shape_cast %swap3A_221 : vector<1x16xf32> to vector<16xf32>
      %swap3A_223 = vector.shape_cast %broadcast_in_dim3A_214 : vector<16xf32> to vector<1x16xf32>
      tpu.vector_store %arg7[%swap3A_219, %swap3A_220], %swap3A_223 {strides = array<i32>} : memref<640x16xf32, #tpu.memory_space<vmem>>, vector<1x16xf32>,
      %slice3A_224 = vector.extract_strided_slice %get3A_46 {offsets = [15], sizes = [1], strides = [1]} : vector<16xf32> to vector<1xf32>
      %squeeze3A_225 = vector.extract %slice3A_224[0] : f32 from vector<1xf32>
      %broadcast_in_dim3A_226 = vector.broadcast %squeeze3A_225 : f32 to vector<16xf32>
      %mul3A_227 = arith.constant 16 : i32
      %mul3A_228 = arith.muli %scan3A_41, %mul3A_227 : i32
      %add3A_229 = arith.constant 15 : i32
      %add3A_230 = arith.addi %mul3A_228, %add3A_229 : i32
      %swap3A_231 = arith.index_cast %add3A_230 : i32 to index
      %swap3A_232 = arith.constant 0 : index
      %swap3A_233 = tpu.vector_load %arg7[%swap3A_231, %swap3A_232] {strides = array<i32>} : memref<640x16xf32, #tpu.memory_space<vmem>>, vector<1x16xf32>,
      %swap3A_234 = vector.shape_cast %swap3A_233 : vector<1x16xf32> to vector<16xf32>
      %swap3A_235 = vector.shape_cast %broadcast_in_dim3A_226 : vector<16xf32> to vector<1x16xf32>
      tpu.vector_store %arg7[%swap3A_231, %swap3A_232], %swap3A_235 {strides = array<i32>} : memref<640x16xf32, #tpu.memory_space<vmem>>, vector<1x16xf32>,
      %scan3A_236 = arith.constant 0 : i32
      scf.yield %scan3A_236 : i32
    }
    %scan3A_38 = arith.constant 40 : i32
    %mul3A_39 = arith.constant 640 : i32
    %mul3A_40 = arith.muli %arg1, %mul3A_39 : i32
    "tpu.region"() ({
      %run_scoped3A = tpu.sem_alloc : memref<!tpu.dma_semaphore, #tpu.memory_space<semaphore_mem>>
      %dma_start3A_41 = arith.constant 0 : i32
      %dma_start3A_42 = tpu.memref_slice %arg3[%arg0, %mul3A_40, %dma_start3A_41] : memref<2x10240x16xf32, #tpu.memory_space<hbm>> -> memref<1x640x16xf32, #tpu.memory_space<hbm>>
      %dma_start3A_43 = tpu.memref_squeeze %dma_start3A_42 : memref<1x640x16xf32, #tpu.memory_space<hbm>> -> memref<640x16xf32, #tpu.memory_space<hbm>>
      %dma_start3A_44 = arith.constant 0 : i32
      %dma_start3A_45 = tpu.memref_slice %arg3[%arg0, %mul3A_40, %dma_start3A_44] : memref<2x10240x16xf32, #tpu.memory_space<hbm>> -> memref<1x640x16xf32, #tpu.memory_space<hbm>>
      %dma_start3A_46 = tpu.memref_squeeze %dma_start3A_45 : memref<1x640x16xf32, #tpu.memory_space<hbm>> -> memref<640x16xf32, #tpu.memory_space<hbm>>
      tpu.enqueue_dma source(%arg7 : memref<640x16xf32, #tpu.memory_space<vmem>>) target(%dma_start3A_46 : memref<640x16xf32, #tpu.memory_space<hbm>>) target_semaphore(%run_scoped3A : memref<!tpu.dma_semaphore, #tpu.memory_space<semaphore_mem>>)
      %dma_wait3A_47 = arith.constant 0 : i32
      %dma_wait3A_48 = tpu.memref_slice %arg3[%arg0, %mul3A_40, %dma_wait3A_47] : memref<2x10240x16xf32, #tpu.memory_space<hbm>> -> memref<1x640x16xf32, #tpu.memory_space<hbm>>
      %dma_wait3A_49 = tpu.memref_squeeze %dma_wait3A_48 : memref<1x640x16xf32, #tpu.memory_space<hbm>> -> memref<640x16xf32, #tpu.memory_space<hbm>>
      %dma_wait3A_50 = arith.constant 0 : i32
      %dma_wait3A_51 = tpu.memref_slice %arg3[%arg0, %mul3A_40, %dma_wait3A_50] : memref<2x10240x16xf32, #tpu.memory_space<hbm>> -> memref<1x640x16xf32, #tpu.memory_space<hbm>>
      %dma_wait3A_52 = tpu.memref_squeeze %dma_wait3A_51 : memref<1x640x16xf32, #tpu.memory_space<hbm>> -> memref<640x16xf32, #tpu.memory_space<hbm>>
      tpu.wait_dma2 semaphore(%run_scoped3A : memref<!tpu.dma_semaphore, #tpu.memory_space<semaphore_mem>>) src(%arg7 : memref<640x16xf32, #tpu.memory_space<vmem>>) dst(%dma_wait3A_52 : memref<640x16xf32, #tpu.memory_space<hbm>>)
      tpu.yield
    }) : () -> ()
    return
  }
}

#map = affine_map<(d0, d1) -> (0, 0)>
#map1 = affine_map<(d0, d1) -> (0, 0, 0)>
module attributes {stable_mosaic.version = 14 : i64} {
  func.func @_agg_kernel(%arg0: i32, %arg1: i32, %arg2: memref<10000x16xf32, #tpu.memory_space<hbm>>, %arg3: memref<2x320000xi32, #tpu.memory_space<hbm>>, %arg4: memref<2x10240x16xf32, #tpu.memory_space<hbm>>, %arg5: memref<2000xi32, #tpu.memory_space<vmem>>, %arg6: memref<2000xi32, #tpu.memory_space<vmem>>, %arg7: memref<2000xi32, #tpu.memory_space<vmem>>, %arg8: memref<2000xi32, #tpu.memory_space<vmem>>, %arg9: memref<2000x16xf32, #tpu.memory_space<vmem>>, %arg10: memref<2000x16xf32, #tpu.memory_space<vmem>>, %arg11: memref<640x16xf32, #tpu.memory_space<vmem>>, %arg12: memref<10240x16xf32, #tpu.memory_space<vmem_shared>>, %arg13: memref<10000x16xf32, #tpu.memory_space<vmem_shared>>, %arg14: memref<!tpu.dma_semaphore, #tpu.memory_space<semaphore_mem>>, %arg15: memref<!tpu.dma_semaphore, #tpu.memory_space<semaphore_mem>>, %arg16: memref<!tpu.dma_semaphore, #tpu.memory_space<semaphore_mem>>, %arg17: memref<!tpu.dma_semaphore, #tpu.memory_space<semaphore_mem>>, %arg18: memref<!tpu.dma_semaphore, #tpu.memory_space<semaphore_mem>>, %arg19: memref<!tpu.dma_semaphore, #tpu.memory_space<semaphore_mem>>, %arg20: memref<!tpu.dma_semaphore, #tpu.memory_space<semaphore_mem>>, %arg21: memref<!tpu.dma_semaphore, #tpu.memory_space<semaphore_mem>>) attributes {dimension_semantics = [#tpu.dimension_semantics<core_parallel>, #tpu.dimension_semantics<subcore_parallel>], iteration_bounds = array<i64: 2, 16>, scalar_prefetch = 0 : i64, scratch_operands = 17 : i64, tpu.core_type = #tpu.core_type<sc_vector_subcore>, window_params = [{transform_indices = #map}, {transform_indices = #map}, {transform_indices = #map1}]} {
    %mul3A = arith.constant 2 : i32
    %mul3A_0 = arith.muli %arg1, %mul3A : i32
    %add3A = arith.addi %mul3A_0, %arg0 : i32
    %mul3A_1 = arith.constant 10000 : i32
    %mul3A_2 = arith.muli %add3A, %mul3A_1 : i32
    %mul3A_3 = arith.constant 625 : i32
    %mul3A_4 = arith.muli %arg1, %mul3A_3 : i32
    %mul3A_5 = arith.constant 625 : i32
    %mul3A_6 = arith.muli %arg1, %mul3A_5 : i32
    %dma_start3A = arith.constant 0 : i32
    %dma_start3A_7 = tpu.memref_slice %arg13[%mul3A_6, %dma_start3A] : memref<10000x16xf32, #tpu.memory_space<vmem_shared>> -> memref<625x16xf32, #tpu.memory_space<vmem_shared>>
    %dma_start3A_8 = arith.constant 0 : i32
    %dma_start3A_9 = tpu.memref_slice %arg2[%mul3A_4, %dma_start3A_8] : memref<10000x16xf32, #tpu.memory_space<hbm>> -> memref<625x16xf32, #tpu.memory_space<hbm>>
    tpu.enqueue_dma source(%dma_start3A_9 : memref<625x16xf32, #tpu.memory_space<hbm>>) target(%dma_start3A_7 : memref<625x16xf32, #tpu.memory_space<vmem_shared>>) target_semaphore(%arg21 : memref<!tpu.dma_semaphore, #tpu.memory_space<semaphore_mem>>)
    %add3A_10 = arith.constant 0 : i32
    %add3A_11 = arith.addi %mul3A_2, %add3A_10 : i32
    %dma_start3A_12 = arith.constant 0 : i32
    %dma_start3A_13 = tpu.memref_slice %arg3[%dma_start3A_12, %add3A_11] : memref<2x320000xi32, #tpu.memory_space<hbm>> -> memref<1x2000xi32, #tpu.memory_space<hbm>>
    %dma_start3A_14 = tpu.memref_squeeze %dma_start3A_13 : memref<1x2000xi32, #tpu.memory_space<hbm>> -> memref<2000xi32, #tpu.memory_space<hbm>>
    %dma_start3A_15 = tpu.memref_slice %arg3[%dma_start3A_12, %add3A_11] : memref<2x320000xi32, #tpu.memory_space<hbm>> -> memref<1x2000xi32, #tpu.memory_space<hbm>>
    %dma_start3A_16 = tpu.memref_squeeze %dma_start3A_15 : memref<1x2000xi32, #tpu.memory_space<hbm>> -> memref<2000xi32, #tpu.memory_space<hbm>>
    tpu.enqueue_dma source(%dma_start3A_16 : memref<2000xi32, #tpu.memory_space<hbm>>) target(%arg5 : memref<2000xi32, #tpu.memory_space<vmem>>) target_semaphore(%arg14 : memref<!tpu.dma_semaphore, #tpu.memory_space<semaphore_mem>>)
    %add3A_17 = arith.constant 0 : i32
    %add3A_18 = arith.addi %mul3A_2, %add3A_17 : i32
    %dma_start3A_19 = arith.constant 1 : i32
    %dma_start3A_20 = tpu.memref_slice %arg3[%dma_start3A_19, %add3A_18] : memref<2x320000xi32, #tpu.memory_space<hbm>> -> memref<1x2000xi32, #tpu.memory_space<hbm>>
    %dma_start3A_21 = tpu.memref_squeeze %dma_start3A_20 : memref<1x2000xi32, #tpu.memory_space<hbm>> -> memref<2000xi32, #tpu.memory_space<hbm>>
    %dma_start3A_22 = tpu.memref_slice %arg3[%dma_start3A_19, %add3A_18] : memref<2x320000xi32, #tpu.memory_space<hbm>> -> memref<1x2000xi32, #tpu.memory_space<hbm>>
    %dma_start3A_23 = tpu.memref_squeeze %dma_start3A_22 : memref<1x2000xi32, #tpu.memory_space<hbm>> -> memref<2000xi32, #tpu.memory_space<hbm>>
    tpu.enqueue_dma source(%dma_start3A_23 : memref<2000xi32, #tpu.memory_space<hbm>>) target(%arg7 : memref<2000xi32, #tpu.memory_space<vmem>>) target_semaphore(%arg14 : memref<!tpu.dma_semaphore, #tpu.memory_space<semaphore_mem>>)
    %add3A_24 = arith.constant 2000 : i32
    %add3A_25 = arith.addi %mul3A_2, %add3A_24 : i32
    %dma_start3A_26 = arith.constant 0 : i32
    %dma_start3A_27 = tpu.memref_slice %arg3[%dma_start3A_26, %add3A_25] : memref<2x320000xi32, #tpu.memory_space<hbm>> -> memref<1x2000xi32, #tpu.memory_space<hbm>>
    %dma_start3A_28 = tpu.memref_squeeze %dma_start3A_27 : memref<1x2000xi32, #tpu.memory_space<hbm>> -> memref<2000xi32, #tpu.memory_space<hbm>>
    %dma_start3A_29 = tpu.memref_slice %arg3[%dma_start3A_26, %add3A_25] : memref<2x320000xi32, #tpu.memory_space<hbm>> -> memref<1x2000xi32, #tpu.memory_space<hbm>>
    %dma_start3A_30 = tpu.memref_squeeze %dma_start3A_29 : memref<1x2000xi32, #tpu.memory_space<hbm>> -> memref<2000xi32, #tpu.memory_space<hbm>>
    tpu.enqueue_dma source(%dma_start3A_30 : memref<2000xi32, #tpu.memory_space<hbm>>) target(%arg6 : memref<2000xi32, #tpu.memory_space<vmem>>) target_semaphore(%arg15 : memref<!tpu.dma_semaphore, #tpu.memory_space<semaphore_mem>>)
    %add3A_31 = arith.constant 2000 : i32
    %add3A_32 = arith.addi %mul3A_2, %add3A_31 : i32
    %dma_start3A_33 = arith.constant 1 : i32
    %dma_start3A_34 = tpu.memref_slice %arg3[%dma_start3A_33, %add3A_32] : memref<2x320000xi32, #tpu.memory_space<hbm>> -> memref<1x2000xi32, #tpu.memory_space<hbm>>
    %dma_start3A_35 = tpu.memref_squeeze %dma_start3A_34 : memref<1x2000xi32, #tpu.memory_space<hbm>> -> memref<2000xi32, #tpu.memory_space<hbm>>
    %dma_start3A_36 = tpu.memref_slice %arg3[%dma_start3A_33, %add3A_32] : memref<2x320000xi32, #tpu.memory_space<hbm>> -> memref<1x2000xi32, #tpu.memory_space<hbm>>
    %dma_start3A_37 = tpu.memref_squeeze %dma_start3A_36 : memref<1x2000xi32, #tpu.memory_space<hbm>> -> memref<2000xi32, #tpu.memory_space<hbm>>
    tpu.enqueue_dma source(%dma_start3A_37 : memref<2000xi32, #tpu.memory_space<hbm>>) target(%arg8 : memref<2000xi32, #tpu.memory_space<vmem>>) target_semaphore(%arg15 : memref<!tpu.dma_semaphore, #tpu.memory_space<semaphore_mem>>)
    %scan3A = arith.constant 0 : i32
    %scan3A_38 = arith.constant 0 : i32
    %scan3A_39 = arith.constant 640 : i32
    %scan3A_40 = arith.addi %scan3A_38, %scan3A_39 : i32
    %scan3A_41 = arith.constant 1 : i32
    %scan3A_42 = scf.for %scan3A_206 = %scan3A_38 to %scan3A_40 step %scan3A_41 iter_args(%scan3A_207 = %scan3A) -> (i32)  : i32 {
      %broadcast_in_dim3A = arith.constant 0.000000e+00 : f32
      %broadcast_in_dim3A_208 = vector.broadcast %broadcast_in_dim3A : f32 to vector<16xf32>
      %swap3A = arith.index_cast %scan3A_206 : i32 to index
      %swap3A_209 = arith.constant 0 : index
      %swap3A_210 = tpu.vector_load %arg11[%swap3A, %swap3A_209] {strides = array<i32>} : memref<640x16xf32, #tpu.memory_space<vmem>>, vector<1x16xf32>,
      %swap3A_211 = vector.shape_cast %swap3A_210 : vector<1x16xf32> to vector<16xf32>
      %swap3A_212 = vector.shape_cast %broadcast_in_dim3A_208 : vector<16xf32> to vector<1x16xf32>
      tpu.vector_store %arg11[%swap3A, %swap3A_209], %swap3A_212 {strides = array<i32>} : memref<640x16xf32, #tpu.memory_space<vmem>>, vector<1x16xf32>,
      %scan3A_213 = arith.constant 0 : i32
      scf.yield %scan3A_213 : i32
    }
    %scan3A_43 = arith.constant 640 : i32
    %mul3A_44 = arith.constant 640 : i32
    %mul3A_45 = arith.muli %arg1, %mul3A_44 : i32
    "tpu.region"() ({
      %run_scoped3A = tpu.sem_alloc : memref<!tpu.dma_semaphore, #tpu.memory_space<semaphore_mem>>
      %dma_start3A_206 = arith.constant 0 : i32
      %dma_start3A_207 = tpu.memref_slice %arg12[%mul3A_45, %dma_start3A_206] : memref<10240x16xf32, #tpu.memory_space<vmem_shared>> -> memref<640x16xf32, #tpu.memory_space<vmem_shared>>
      %dma_start3A_208 = arith.constant 0 : i32
      %dma_start3A_209 = tpu.memref_slice %arg12[%mul3A_45, %dma_start3A_208] : memref<10240x16xf32, #tpu.memory_space<vmem_shared>> -> memref<640x16xf32, #tpu.memory_space<vmem_shared>>
      tpu.enqueue_dma source(%arg11 : memref<640x16xf32, #tpu.memory_space<vmem>>) target(%dma_start3A_209 : memref<640x16xf32, #tpu.memory_space<vmem_shared>>) target_semaphore(%run_scoped3A : memref<!tpu.dma_semaphore, #tpu.memory_space<semaphore_mem>>)
      %dma_wait3A_210 = arith.constant 0 : i32
      %dma_wait3A_211 = tpu.memref_slice %arg12[%mul3A_45, %dma_wait3A_210] : memref<10240x16xf32, #tpu.memory_space<vmem_shared>> -> memref<640x16xf32, #tpu.memory_space<vmem_shared>>
      %dma_wait3A_212 = arith.constant 0 : i32
      %dma_wait3A_213 = tpu.memref_slice %arg12[%mul3A_45, %dma_wait3A_212] : memref<10240x16xf32, #tpu.memory_space<vmem_shared>> -> memref<640x16xf32, #tpu.memory_space<vmem_shared>>
      tpu.wait_dma2 semaphore(%run_scoped3A : memref<!tpu.dma_semaphore, #tpu.memory_space<semaphore_mem>>) src(%arg11 : memref<640x16xf32, #tpu.memory_space<vmem>>) dst(%dma_wait3A_213 : memref<640x16xf32, #tpu.memory_space<vmem_shared>>)
      tpu.yield
    }) : () -> ()
    %dma_wait3A = arith.constant 0 : i32
    %dma_wait3A_46 = tpu.memref_slice %arg13[%mul3A_6, %dma_wait3A] : memref<10000x16xf32, #tpu.memory_space<vmem_shared>> -> memref<625x16xf32, #tpu.memory_space<vmem_shared>>
    %dma_wait3A_47 = arith.constant 0 : i32
    %dma_wait3A_48 = tpu.memref_slice %arg2[%mul3A_4, %dma_wait3A_47] : memref<10000x16xf32, #tpu.memory_space<hbm>> -> memref<625x16xf32, #tpu.memory_space<hbm>>
    tpu.wait_dma2 semaphore(%arg21 : memref<!tpu.dma_semaphore, #tpu.memory_space<semaphore_mem>>) src(%dma_wait3A_48 : memref<625x16xf32, #tpu.memory_space<hbm>>) dst(%dma_wait3A_46 : memref<625x16xf32, #tpu.memory_space<vmem_shared>>)
    %barrier3A = arith.constant 0 : index
    tpu.barrier barrier_id(%barrier3A)
    %dma_wait3A_49 = arith.constant 0 : i32
    %dma_wait3A_50 = tpu.memref_slice %arg3[%dma_wait3A_49, %add3A_11] : memref<2x320000xi32, #tpu.memory_space<hbm>> -> memref<1x2000xi32, #tpu.memory_space<hbm>>
    %dma_wait3A_51 = tpu.memref_squeeze %dma_wait3A_50 : memref<1x2000xi32, #tpu.memory_space<hbm>> -> memref<2000xi32, #tpu.memory_space<hbm>>
    %dma_wait3A_52 = tpu.memref_slice %arg3[%dma_wait3A_49, %add3A_11] : memref<2x320000xi32, #tpu.memory_space<hbm>> -> memref<1x2000xi32, #tpu.memory_space<hbm>>
    %dma_wait3A_53 = tpu.memref_squeeze %dma_wait3A_52 : memref<1x2000xi32, #tpu.memory_space<hbm>> -> memref<2000xi32, #tpu.memory_space<hbm>>
    tpu.wait_dma2 semaphore(%arg14 : memref<!tpu.dma_semaphore, #tpu.memory_space<semaphore_mem>>) src(%dma_wait3A_53 : memref<2000xi32, #tpu.memory_space<hbm>>) dst(%arg5 : memref<2000xi32, #tpu.memory_space<vmem>>)
    %dma_wait3A_54 = arith.constant 1 : i32
    %dma_wait3A_55 = tpu.memref_slice %arg3[%dma_wait3A_54, %add3A_18] : memref<2x320000xi32, #tpu.memory_space<hbm>> -> memref<1x2000xi32, #tpu.memory_space<hbm>>
    %dma_wait3A_56 = tpu.memref_squeeze %dma_wait3A_55 : memref<1x2000xi32, #tpu.memory_space<hbm>> -> memref<2000xi32, #tpu.memory_space<hbm>>
    %dma_wait3A_57 = tpu.memref_slice %arg3[%dma_wait3A_54, %add3A_18] : memref<2x320000xi32, #tpu.memory_space<hbm>> -> memref<1x2000xi32, #tpu.memory_space<hbm>>
    %dma_wait3A_58 = tpu.memref_squeeze %dma_wait3A_57 : memref<1x2000xi32, #tpu.memory_space<hbm>> -> memref<2000xi32, #tpu.memory_space<hbm>>
    tpu.wait_dma2 semaphore(%arg14 : memref<!tpu.dma_semaphore, #tpu.memory_space<semaphore_mem>>) src(%dma_wait3A_58 : memref<2000xi32, #tpu.memory_space<hbm>>) dst(%arg7 : memref<2000xi32, #tpu.memory_space<vmem>>)
    %dma_start3A_59 = arith.constant 0 : i32
    %dma_start3A_60 = arith.constant 0 : i32
    %dma_start3A_61 = tpu.memref_slice %arg13[%dma_start3A_59, %dma_start3A_60] : memref<10000x16xf32, #tpu.memory_space<vmem_shared>> -> memref<10000x16xf32, #tpu.memory_space<vmem_shared>>
    tpu.enqueue_indirect_dma source(%dma_start3A_61 : memref<10000x16xf32, #tpu.memory_space<vmem_shared>>) target(%arg9 : memref<2000x16xf32, #tpu.memory_space<vmem>>) offsets(%arg5 : memref<2000xi32, #tpu.memory_space<vmem>>) semaphore(%arg17 : memref<!tpu.dma_semaphore, #tpu.memory_space<semaphore_mem>>)
    %dma_wait3A_62 = arith.constant 0 : i32
    %dma_wait3A_63 = arith.constant 0 : i32
    %dma_wait3A_64 = tpu.memref_slice %arg13[%dma_wait3A_62, %dma_wait3A_63] : memref<10000x16xf32, #tpu.memory_space<vmem_shared>> -> memref<10000x16xf32, #tpu.memory_space<vmem_shared>>
    tpu.wait_indirect_dma semaphore(%arg17 : memref<!tpu.dma_semaphore, #tpu.memory_space<semaphore_mem>>) src(%dma_wait3A_64 : memref<10000x16xf32, #tpu.memory_space<vmem_shared>>) dst(%arg9 : memref<2000x16xf32, #tpu.memory_space<vmem>>)
    %dma_start3A_65 = arith.constant 0 : i32
    %dma_start3A_66 = arith.constant 0 : i32
    %dma_start3A_67 = tpu.memref_slice %arg12[%dma_start3A_65, %dma_start3A_66] : memref<10240x16xf32, #tpu.memory_space<vmem_shared>> -> memref<10240x16xf32, #tpu.memory_space<vmem_shared>>
    tpu.enqueue_indirect_dma source(%arg9 : memref<2000x16xf32, #tpu.memory_space<vmem>>) target(%dma_start3A_67 : memref<10240x16xf32, #tpu.memory_space<vmem_shared>>) offsets(%arg7 : memref<2000xi32, #tpu.memory_space<vmem>>) semaphore(%arg19 : memref<!tpu.dma_semaphore, #tpu.memory_space<semaphore_mem>>) {add = true}
    %dma_wait3A_68 = arith.constant 0 : i32
    %dma_wait3A_69 = tpu.memref_slice %arg3[%dma_wait3A_68, %add3A_25] : memref<2x320000xi32, #tpu.memory_space<hbm>> -> memref<1x2000xi32, #tpu.memory_space<hbm>>
    %dma_wait3A_70 = tpu.memref_squeeze %dma_wait3A_69 : memref<1x2000xi32, #tpu.memory_space<hbm>> -> memref<2000xi32, #tpu.memory_space<hbm>>
    %dma_wait3A_71 = tpu.memref_slice %arg3[%dma_wait3A_68, %add3A_25] : memref<2x320000xi32, #tpu.memory_space<hbm>> -> memref<1x2000xi32, #tpu.memory_space<hbm>>
    %dma_wait3A_72 = tpu.memref_squeeze %dma_wait3A_71 : memref<1x2000xi32, #tpu.memory_space<hbm>> -> memref<2000xi32, #tpu.memory_space<hbm>>
    tpu.wait_dma2 semaphore(%arg15 : memref<!tpu.dma_semaphore, #tpu.memory_space<semaphore_mem>>) src(%dma_wait3A_72 : memref<2000xi32, #tpu.memory_space<hbm>>) dst(%arg6 : memref<2000xi32, #tpu.memory_space<vmem>>)
    %dma_wait3A_73 = arith.constant 1 : i32
    %dma_wait3A_74 = tpu.memref_slice %arg3[%dma_wait3A_73, %add3A_32] : memref<2x320000xi32, #tpu.memory_space<hbm>> -> memref<1x2000xi32, #tpu.memory_space<hbm>>
    %dma_wait3A_75 = tpu.memref_squeeze %dma_wait3A_74 : memref<1x2000xi32, #tpu.memory_space<hbm>> -> memref<2000xi32, #tpu.memory_space<hbm>>
    %dma_wait3A_76 = tpu.memref_slice %arg3[%dma_wait3A_73, %add3A_32] : memref<2x320000xi32, #tpu.memory_space<hbm>> -> memref<1x2000xi32, #tpu.memory_space<hbm>>
    %dma_wait3A_77 = tpu.memref_squeeze %dma_wait3A_76 : memref<1x2000xi32, #tpu.memory_space<hbm>> -> memref<2000xi32, #tpu.memory_space<hbm>>
    tpu.wait_dma2 semaphore(%arg15 : memref<!tpu.dma_semaphore, #tpu.memory_space<semaphore_mem>>) src(%dma_wait3A_77 : memref<2000xi32, #tpu.memory_space<hbm>>) dst(%arg8 : memref<2000xi32, #tpu.memory_space<vmem>>)
    %dma_start3A_78 = arith.constant 0 : i32
    %dma_start3A_79 = arith.constant 0 : i32
    %dma_start3A_80 = tpu.memref_slice %arg13[%dma_start3A_78, %dma_start3A_79] : memref<10000x16xf32, #tpu.memory_space<vmem_shared>> -> memref<10000x16xf32, #tpu.memory_space<vmem_shared>>
    tpu.enqueue_indirect_dma source(%dma_start3A_80 : memref<10000x16xf32, #tpu.memory_space<vmem_shared>>) target(%arg10 : memref<2000x16xf32, #tpu.memory_space<vmem>>) offsets(%arg6 : memref<2000xi32, #tpu.memory_space<vmem>>) semaphore(%arg18 : memref<!tpu.dma_semaphore, #tpu.memory_space<semaphore_mem>>)
    %dma_wait3A_81 = arith.constant 0 : i32
    %dma_wait3A_82 = arith.constant 0 : i32
    %dma_wait3A_83 = tpu.memref_slice %arg12[%dma_wait3A_81, %dma_wait3A_82] : memref<10240x16xf32, #tpu.memory_space<vmem_shared>> -> memref<10240x16xf32, #tpu.memory_space<vmem_shared>>
    tpu.wait_indirect_dma semaphore(%arg19 : memref<!tpu.dma_semaphore, #tpu.memory_space<semaphore_mem>>) src(%arg9 : memref<2000x16xf32, #tpu.memory_space<vmem>>) dst(%dma_wait3A_83 : memref<10240x16xf32, #tpu.memory_space<vmem_shared>>)
    %add3A_84 = arith.constant 4000 : i32
    %add3A_85 = arith.addi %mul3A_2, %add3A_84 : i32
    %dma_start3A_86 = arith.constant 0 : i32
    %dma_start3A_87 = tpu.memref_slice %arg3[%dma_start3A_86, %add3A_85] : memref<2x320000xi32, #tpu.memory_space<hbm>> -> memref<1x2000xi32, #tpu.memory_space<hbm>>
    %dma_start3A_88 = tpu.memref_squeeze %dma_start3A_87 : memref<1x2000xi32, #tpu.memory_space<hbm>> -> memref<2000xi32, #tpu.memory_space<hbm>>
    %dma_start3A_89 = tpu.memref_slice %arg3[%dma_start3A_86, %add3A_85] : memref<2x320000xi32, #tpu.memory_space<hbm>> -> memref<1x2000xi32, #tpu.memory_space<hbm>>
    %dma_start3A_90 = tpu.memref_squeeze %dma_start3A_89 : memref<1x2000xi32, #tpu.memory_space<hbm>> -> memref<2000xi32, #tpu.memory_space<hbm>>
    tpu.enqueue_dma source(%dma_start3A_90 : memref<2000xi32, #tpu.memory_space<hbm>>) target(%arg5 : memref<2000xi32, #tpu.memory_space<vmem>>) target_semaphore(%arg16 : memref<!tpu.dma_semaphore, #tpu.memory_space<semaphore_mem>>)
    %add3A_91 = arith.constant 4000 : i32
    %add3A_92 = arith.addi %mul3A_2, %add3A_91 : i32
    %dma_start3A_93 = arith.constant 1 : i32
    %dma_start3A_94 = tpu.memref_slice %arg3[%dma_start3A_93, %add3A_92] : memref<2x320000xi32, #tpu.memory_space<hbm>> -> memref<1x2000xi32, #tpu.memory_space<hbm>>
    %dma_start3A_95 = tpu.memref_squeeze %dma_start3A_94 : memref<1x2000xi32, #tpu.memory_space<hbm>> -> memref<2000xi32, #tpu.memory_space<hbm>>
    %dma_start3A_96 = tpu.memref_slice %arg3[%dma_start3A_93, %add3A_92] : memref<2x320000xi32, #tpu.memory_space<hbm>> -> memref<1x2000xi32, #tpu.memory_space<hbm>>
    %dma_start3A_97 = tpu.memref_squeeze %dma_start3A_96 : memref<1x2000xi32, #tpu.memory_space<hbm>> -> memref<2000xi32, #tpu.memory_space<hbm>>
    tpu.enqueue_dma source(%dma_start3A_97 : memref<2000xi32, #tpu.memory_space<hbm>>) target(%arg7 : memref<2000xi32, #tpu.memory_space<vmem>>) target_semaphore(%arg16 : memref<!tpu.dma_semaphore, #tpu.memory_space<semaphore_mem>>)
    %dma_wait3A_98 = arith.constant 0 : i32
    %dma_wait3A_99 = arith.constant 0 : i32
    %dma_wait3A_100 = tpu.memref_slice %arg13[%dma_wait3A_98, %dma_wait3A_99] : memref<10000x16xf32, #tpu.memory_space<vmem_shared>> -> memref<10000x16xf32, #tpu.memory_space<vmem_shared>>
    tpu.wait_indirect_dma semaphore(%arg18 : memref<!tpu.dma_semaphore, #tpu.memory_space<semaphore_mem>>) src(%dma_wait3A_100 : memref<10000x16xf32, #tpu.memory_space<vmem_shared>>) dst(%arg10 : memref<2000x16xf32, #tpu.memory_space<vmem>>)
    %dma_start3A_101 = arith.constant 0 : i32
    %dma_start3A_102 = arith.constant 0 : i32
    %dma_start3A_103 = tpu.memref_slice %arg12[%dma_start3A_101, %dma_start3A_102] : memref<10240x16xf32, #tpu.memory_space<vmem_shared>> -> memref<10240x16xf32, #tpu.memory_space<vmem_shared>>
    tpu.enqueue_indirect_dma source(%arg10 : memref<2000x16xf32, #tpu.memory_space<vmem>>) target(%dma_start3A_103 : memref<10240x16xf32, #tpu.memory_space<vmem_shared>>) offsets(%arg8 : memref<2000xi32, #tpu.memory_space<vmem>>) semaphore(%arg20 : memref<!tpu.dma_semaphore, #tpu.memory_space<semaphore_mem>>) {add = true}
    %dma_wait3A_104 = arith.constant 0 : i32
    %dma_wait3A_105 = tpu.memref_slice %arg3[%dma_wait3A_104, %add3A_85] : memref<2x320000xi32, #tpu.memory_space<hbm>> -> memref<1x2000xi32, #tpu.memory_space<hbm>>
    %dma_wait3A_106 = tpu.memref_squeeze %dma_wait3A_105 : memref<1x2000xi32, #tpu.memory_space<hbm>> -> memref<2000xi32, #tpu.memory_space<hbm>>
    %dma_wait3A_107 = tpu.memref_slice %arg3[%dma_wait3A_104, %add3A_85] : memref<2x320000xi32, #tpu.memory_space<hbm>> -> memref<1x2000xi32, #tpu.memory_space<hbm>>
    %dma_wait3A_108 = tpu.memref_squeeze %dma_wait3A_107 : memref<1x2000xi32, #tpu.memory_space<hbm>> -> memref<2000xi32, #tpu.memory_space<hbm>>
    tpu.wait_dma2 semaphore(%arg16 : memref<!tpu.dma_semaphore, #tpu.memory_space<semaphore_mem>>) src(%dma_wait3A_108 : memref<2000xi32, #tpu.memory_space<hbm>>) dst(%arg5 : memref<2000xi32, #tpu.memory_space<vmem>>)
    %dma_wait3A_109 = arith.constant 1 : i32
    %dma_wait3A_110 = tpu.memref_slice %arg3[%dma_wait3A_109, %add3A_92] : memref<2x320000xi32, #tpu.memory_space<hbm>> -> memref<1x2000xi32, #tpu.memory_space<hbm>>
    %dma_wait3A_111 = tpu.memref_squeeze %dma_wait3A_110 : memref<1x2000xi32, #tpu.memory_space<hbm>> -> memref<2000xi32, #tpu.memory_space<hbm>>
    %dma_wait3A_112 = tpu.memref_slice %arg3[%dma_wait3A_109, %add3A_92] : memref<2x320000xi32, #tpu.memory_space<hbm>> -> memref<1x2000xi32, #tpu.memory_space<hbm>>
    %dma_wait3A_113 = tpu.memref_squeeze %dma_wait3A_112 : memref<1x2000xi32, #tpu.memory_space<hbm>> -> memref<2000xi32, #tpu.memory_space<hbm>>
    tpu.wait_dma2 semaphore(%arg16 : memref<!tpu.dma_semaphore, #tpu.memory_space<semaphore_mem>>) src(%dma_wait3A_113 : memref<2000xi32, #tpu.memory_space<hbm>>) dst(%arg7 : memref<2000xi32, #tpu.memory_space<vmem>>)
    %dma_start3A_114 = arith.constant 0 : i32
    %dma_start3A_115 = arith.constant 0 : i32
    %dma_start3A_116 = tpu.memref_slice %arg13[%dma_start3A_114, %dma_start3A_115] : memref<10000x16xf32, #tpu.memory_space<vmem_shared>> -> memref<10000x16xf32, #tpu.memory_space<vmem_shared>>
    tpu.enqueue_indirect_dma source(%dma_start3A_116 : memref<10000x16xf32, #tpu.memory_space<vmem_shared>>) target(%arg9 : memref<2000x16xf32, #tpu.memory_space<vmem>>) offsets(%arg5 : memref<2000xi32, #tpu.memory_space<vmem>>) semaphore(%arg17 : memref<!tpu.dma_semaphore, #tpu.memory_space<semaphore_mem>>)
    %dma_wait3A_117 = arith.constant 0 : i32
    %dma_wait3A_118 = arith.constant 0 : i32
    %dma_wait3A_119 = tpu.memref_slice %arg12[%dma_wait3A_117, %dma_wait3A_118] : memref<10240x16xf32, #tpu.memory_space<vmem_shared>> -> memref<10240x16xf32, #tpu.memory_space<vmem_shared>>
    tpu.wait_indirect_dma semaphore(%arg20 : memref<!tpu.dma_semaphore, #tpu.memory_space<semaphore_mem>>) src(%arg10 : memref<2000x16xf32, #tpu.memory_space<vmem>>) dst(%dma_wait3A_119 : memref<10240x16xf32, #tpu.memory_space<vmem_shared>>)
    %add3A_120 = arith.constant 6000 : i32
    %add3A_121 = arith.addi %mul3A_2, %add3A_120 : i32
    %dma_start3A_122 = arith.constant 0 : i32
    %dma_start3A_123 = tpu.memref_slice %arg3[%dma_start3A_122, %add3A_121] : memref<2x320000xi32, #tpu.memory_space<hbm>> -> memref<1x2000xi32, #tpu.memory_space<hbm>>
    %dma_start3A_124 = tpu.memref_squeeze %dma_start3A_123 : memref<1x2000xi32, #tpu.memory_space<hbm>> -> memref<2000xi32, #tpu.memory_space<hbm>>
    %dma_start3A_125 = tpu.memref_slice %arg3[%dma_start3A_122, %add3A_121] : memref<2x320000xi32, #tpu.memory_space<hbm>> -> memref<1x2000xi32, #tpu.memory_space<hbm>>
    %dma_start3A_126 = tpu.memref_squeeze %dma_start3A_125 : memref<1x2000xi32, #tpu.memory_space<hbm>> -> memref<2000xi32, #tpu.memory_space<hbm>>
    tpu.enqueue_dma source(%dma_start3A_126 : memref<2000xi32, #tpu.memory_space<hbm>>) target(%arg6 : memref<2000xi32, #tpu.memory_space<vmem>>) target_semaphore(%arg14 : memref<!tpu.dma_semaphore, #tpu.memory_space<semaphore_mem>>)
    %add3A_127 = arith.constant 6000 : i32
    %add3A_128 = arith.addi %mul3A_2, %add3A_127 : i32
    %dma_start3A_129 = arith.constant 1 : i32
    %dma_start3A_130 = tpu.memref_slice %arg3[%dma_start3A_129, %add3A_128] : memref<2x320000xi32, #tpu.memory_space<hbm>> -> memref<1x2000xi32, #tpu.memory_space<hbm>>
    %dma_start3A_131 = tpu.memref_squeeze %dma_start3A_130 : memref<1x2000xi32, #tpu.memory_space<hbm>> -> memref<2000xi32, #tpu.memory_space<hbm>>
    %dma_start3A_132 = tpu.memref_slice %arg3[%dma_start3A_129, %add3A_128] : memref<2x320000xi32, #tpu.memory_space<hbm>> -> memref<1x2000xi32, #tpu.memory_space<hbm>>
    %dma_start3A_133 = tpu.memref_squeeze %dma_start3A_132 : memref<1x2000xi32, #tpu.memory_space<hbm>> -> memref<2000xi32, #tpu.memory_space<hbm>>
    tpu.enqueue_dma source(%dma_start3A_133 : memref<2000xi32, #tpu.memory_space<hbm>>) target(%arg8 : memref<2000xi32, #tpu.memory_space<vmem>>) target_semaphore(%arg14 : memref<!tpu.dma_semaphore, #tpu.memory_space<semaphore_mem>>)
    %dma_wait3A_134 = arith.constant 0 : i32
    %dma_wait3A_135 = arith.constant 0 : i32
    %dma_wait3A_136 = tpu.memref_slice %arg13[%dma_wait3A_134, %dma_wait3A_135] : memref<10000x16xf32, #tpu.memory_space<vmem_shared>> -> memref<10000x16xf32, #tpu.memory_space<vmem_shared>>
    tpu.wait_indirect_dma semaphore(%arg17 : memref<!tpu.dma_semaphore, #tpu.memory_space<semaphore_mem>>) src(%dma_wait3A_136 : memref<10000x16xf32, #tpu.memory_space<vmem_shared>>) dst(%arg9 : memref<2000x16xf32, #tpu.memory_space<vmem>>)
    %dma_start3A_137 = arith.constant 0 : i32
    %dma_start3A_138 = arith.constant 0 : i32
    %dma_start3A_139 = tpu.memref_slice %arg12[%dma_start3A_137, %dma_start3A_138] : memref<10240x16xf32, #tpu.memory_space<vmem_shared>> -> memref<10240x16xf32, #tpu.memory_space<vmem_shared>>
    tpu.enqueue_indirect_dma source(%arg9 : memref<2000x16xf32, #tpu.memory_space<vmem>>) target(%dma_start3A_139 : memref<10240x16xf32, #tpu.memory_space<vmem_shared>>) offsets(%arg7 : memref<2000xi32, #tpu.memory_space<vmem>>) semaphore(%arg19 : memref<!tpu.dma_semaphore, #tpu.memory_space<semaphore_mem>>) {add = true}
    %dma_wait3A_140 = arith.constant 0 : i32
    %dma_wait3A_141 = tpu.memref_slice %arg3[%dma_wait3A_140, %add3A_121] : memref<2x320000xi32, #tpu.memory_space<hbm>> -> memref<1x2000xi32, #tpu.memory_space<hbm>>
    %dma_wait3A_142 = tpu.memref_squeeze %dma_wait3A_141 : memref<1x2000xi32, #tpu.memory_space<hbm>> -> memref<2000xi32, #tpu.memory_space<hbm>>
    %dma_wait3A_143 = tpu.memref_slice %arg3[%dma_wait3A_140, %add3A_121] : memref<2x320000xi32, #tpu.memory_space<hbm>> -> memref<1x2000xi32, #tpu.memory_space<hbm>>
    %dma_wait3A_144 = tpu.memref_squeeze %dma_wait3A_143 : memref<1x2000xi32, #tpu.memory_space<hbm>> -> memref<2000xi32, #tpu.memory_space<hbm>>
    tpu.wait_dma2 semaphore(%arg14 : memref<!tpu.dma_semaphore, #tpu.memory_space<semaphore_mem>>) src(%dma_wait3A_144 : memref<2000xi32, #tpu.memory_space<hbm>>) dst(%arg6 : memref<2000xi32, #tpu.memory_space<vmem>>)
    %dma_wait3A_145 = arith.constant 1 : i32
    %dma_wait3A_146 = tpu.memref_slice %arg3[%dma_wait3A_145, %add3A_128] : memref<2x320000xi32, #tpu.memory_space<hbm>> -> memref<1x2000xi32, #tpu.memory_space<hbm>>
    %dma_wait3A_147 = tpu.memref_squeeze %dma_wait3A_146 : memref<1x2000xi32, #tpu.memory_space<hbm>> -> memref<2000xi32, #tpu.memory_space<hbm>>
    %dma_wait3A_148 = tpu.memref_slice %arg3[%dma_wait3A_145, %add3A_128] : memref<2x320000xi32, #tpu.memory_space<hbm>> -> memref<1x2000xi32, #tpu.memory_space<hbm>>
    %dma_wait3A_149 = tpu.memref_squeeze %dma_wait3A_148 : memref<1x2000xi32, #tpu.memory_space<hbm>> -> memref<2000xi32, #tpu.memory_space<hbm>>
    tpu.wait_dma2 semaphore(%arg14 : memref<!tpu.dma_semaphore, #tpu.memory_space<semaphore_mem>>) src(%dma_wait3A_149 : memref<2000xi32, #tpu.memory_space<hbm>>) dst(%arg8 : memref<2000xi32, #tpu.memory_space<vmem>>)
    %dma_start3A_150 = arith.constant 0 : i32
    %dma_start3A_151 = arith.constant 0 : i32
    %dma_start3A_152 = tpu.memref_slice %arg13[%dma_start3A_150, %dma_start3A_151] : memref<10000x16xf32, #tpu.memory_space<vmem_shared>> -> memref<10000x16xf32, #tpu.memory_space<vmem_shared>>
    tpu.enqueue_indirect_dma source(%dma_start3A_152 : memref<10000x16xf32, #tpu.memory_space<vmem_shared>>) target(%arg10 : memref<2000x16xf32, #tpu.memory_space<vmem>>) offsets(%arg6 : memref<2000xi32, #tpu.memory_space<vmem>>) semaphore(%arg18 : memref<!tpu.dma_semaphore, #tpu.memory_space<semaphore_mem>>)
    %dma_wait3A_153 = arith.constant 0 : i32
    %dma_wait3A_154 = arith.constant 0 : i32
    %dma_wait3A_155 = tpu.memref_slice %arg12[%dma_wait3A_153, %dma_wait3A_154] : memref<10240x16xf32, #tpu.memory_space<vmem_shared>> -> memref<10240x16xf32, #tpu.memory_space<vmem_shared>>
    tpu.wait_indirect_dma semaphore(%arg19 : memref<!tpu.dma_semaphore, #tpu.memory_space<semaphore_mem>>) src(%arg9 : memref<2000x16xf32, #tpu.memory_space<vmem>>) dst(%dma_wait3A_155 : memref<10240x16xf32, #tpu.memory_space<vmem_shared>>)
    %add3A_156 = arith.constant 8000 : i32
    %add3A_157 = arith.addi %mul3A_2, %add3A_156 : i32
    %dma_start3A_158 = arith.constant 0 : i32
    %dma_start3A_159 = tpu.memref_slice %arg3[%dma_start3A_158, %add3A_157] : memref<2x320000xi32, #tpu.memory_space<hbm>> -> memref<1x2000xi32, #tpu.memory_space<hbm>>
    %dma_start3A_160 = tpu.memref_squeeze %dma_start3A_159 : memref<1x2000xi32, #tpu.memory_space<hbm>> -> memref<2000xi32, #tpu.memory_space<hbm>>
    %dma_start3A_161 = tpu.memref_slice %arg3[%dma_start3A_158, %add3A_157] : memref<2x320000xi32, #tpu.memory_space<hbm>> -> memref<1x2000xi32, #tpu.memory_space<hbm>>
    %dma_start3A_162 = tpu.memref_squeeze %dma_start3A_161 : memref<1x2000xi32, #tpu.memory_space<hbm>> -> memref<2000xi32, #tpu.memory_space<hbm>>
    tpu.enqueue_dma source(%dma_start3A_162 : memref<2000xi32, #tpu.memory_space<hbm>>) target(%arg5 : memref<2000xi32, #tpu.memory_space<vmem>>) target_semaphore(%arg15 : memref<!tpu.dma_semaphore, #tpu.memory_space<semaphore_mem>>)
    %add3A_163 = arith.constant 8000 : i32
    %add3A_164 = arith.addi %mul3A_2, %add3A_163 : i32
    %dma_start3A_165 = arith.constant 1 : i32
    %dma_start3A_166 = tpu.memref_slice %arg3[%dma_start3A_165, %add3A_164] : memref<2x320000xi32, #tpu.memory_space<hbm>> -> memref<1x2000xi32, #tpu.memory_space<hbm>>
    %dma_start3A_167 = tpu.memref_squeeze %dma_start3A_166 : memref<1x2000xi32, #tpu.memory_space<hbm>> -> memref<2000xi32, #tpu.memory_space<hbm>>
    %dma_start3A_168 = tpu.memref_slice %arg3[%dma_start3A_165, %add3A_164] : memref<2x320000xi32, #tpu.memory_space<hbm>> -> memref<1x2000xi32, #tpu.memory_space<hbm>>
    %dma_start3A_169 = tpu.memref_squeeze %dma_start3A_168 : memref<1x2000xi32, #tpu.memory_space<hbm>> -> memref<2000xi32, #tpu.memory_space<hbm>>
    tpu.enqueue_dma source(%dma_start3A_169 : memref<2000xi32, #tpu.memory_space<hbm>>) target(%arg7 : memref<2000xi32, #tpu.memory_space<vmem>>) target_semaphore(%arg15 : memref<!tpu.dma_semaphore, #tpu.memory_space<semaphore_mem>>)
    %dma_wait3A_170 = arith.constant 0 : i32
    %dma_wait3A_171 = arith.constant 0 : i32
    %dma_wait3A_172 = tpu.memref_slice %arg13[%dma_wait3A_170, %dma_wait3A_171] : memref<10000x16xf32, #tpu.memory_space<vmem_shared>> -> memref<10000x16xf32, #tpu.memory_space<vmem_shared>>
    tpu.wait_indirect_dma semaphore(%arg18 : memref<!tpu.dma_semaphore, #tpu.memory_space<semaphore_mem>>) src(%dma_wait3A_172 : memref<10000x16xf32, #tpu.memory_space<vmem_shared>>) dst(%arg10 : memref<2000x16xf32, #tpu.memory_space<vmem>>)
    %dma_start3A_173 = arith.constant 0 : i32
    %dma_start3A_174 = arith.constant 0 : i32
    %dma_start3A_175 = tpu.memref_slice %arg12[%dma_start3A_173, %dma_start3A_174] : memref<10240x16xf32, #tpu.memory_space<vmem_shared>> -> memref<10240x16xf32, #tpu.memory_space<vmem_shared>>
    tpu.enqueue_indirect_dma source(%arg10 : memref<2000x16xf32, #tpu.memory_space<vmem>>) target(%dma_start3A_175 : memref<10240x16xf32, #tpu.memory_space<vmem_shared>>) offsets(%arg8 : memref<2000xi32, #tpu.memory_space<vmem>>) semaphore(%arg20 : memref<!tpu.dma_semaphore, #tpu.memory_space<semaphore_mem>>) {add = true}
    %dma_wait3A_176 = arith.constant 0 : i32
    %dma_wait3A_177 = tpu.memref_slice %arg3[%dma_wait3A_176, %add3A_157] : memref<2x320000xi32, #tpu.memory_space<hbm>> -> memref<1x2000xi32, #tpu.memory_space<hbm>>
    %dma_wait3A_178 = tpu.memref_squeeze %dma_wait3A_177 : memref<1x2000xi32, #tpu.memory_space<hbm>> -> memref<2000xi32, #tpu.memory_space<hbm>>
    %dma_wait3A_179 = tpu.memref_slice %arg3[%dma_wait3A_176, %add3A_157] : memref<2x320000xi32, #tpu.memory_space<hbm>> -> memref<1x2000xi32, #tpu.memory_space<hbm>>
    %dma_wait3A_180 = tpu.memref_squeeze %dma_wait3A_179 : memref<1x2000xi32, #tpu.memory_space<hbm>> -> memref<2000xi32, #tpu.memory_space<hbm>>
    tpu.wait_dma2 semaphore(%arg15 : memref<!tpu.dma_semaphore, #tpu.memory_space<semaphore_mem>>) src(%dma_wait3A_180 : memref<2000xi32, #tpu.memory_space<hbm>>) dst(%arg5 : memref<2000xi32, #tpu.memory_space<vmem>>)
    %dma_wait3A_181 = arith.constant 1 : i32
    %dma_wait3A_182 = tpu.memref_slice %arg3[%dma_wait3A_181, %add3A_164] : memref<2x320000xi32, #tpu.memory_space<hbm>> -> memref<1x2000xi32, #tpu.memory_space<hbm>>
    %dma_wait3A_183 = tpu.memref_squeeze %dma_wait3A_182 : memref<1x2000xi32, #tpu.memory_space<hbm>> -> memref<2000xi32, #tpu.memory_space<hbm>>
    %dma_wait3A_184 = tpu.memref_slice %arg3[%dma_wait3A_181, %add3A_164] : memref<2x320000xi32, #tpu.memory_space<hbm>> -> memref<1x2000xi32, #tpu.memory_space<hbm>>
    %dma_wait3A_185 = tpu.memref_squeeze %dma_wait3A_184 : memref<1x2000xi32, #tpu.memory_space<hbm>> -> memref<2000xi32, #tpu.memory_space<hbm>>
    tpu.wait_dma2 semaphore(%arg15 : memref<!tpu.dma_semaphore, #tpu.memory_space<semaphore_mem>>) src(%dma_wait3A_185 : memref<2000xi32, #tpu.memory_space<hbm>>) dst(%arg7 : memref<2000xi32, #tpu.memory_space<vmem>>)
    %dma_start3A_186 = arith.constant 0 : i32
    %dma_start3A_187 = arith.constant 0 : i32
    %dma_start3A_188 = tpu.memref_slice %arg13[%dma_start3A_186, %dma_start3A_187] : memref<10000x16xf32, #tpu.memory_space<vmem_shared>> -> memref<10000x16xf32, #tpu.memory_space<vmem_shared>>
    tpu.enqueue_indirect_dma source(%dma_start3A_188 : memref<10000x16xf32, #tpu.memory_space<vmem_shared>>) target(%arg9 : memref<2000x16xf32, #tpu.memory_space<vmem>>) offsets(%arg5 : memref<2000xi32, #tpu.memory_space<vmem>>) semaphore(%arg17 : memref<!tpu.dma_semaphore, #tpu.memory_space<semaphore_mem>>)
    %dma_wait3A_189 = arith.constant 0 : i32
    %dma_wait3A_190 = arith.constant 0 : i32
    %dma_wait3A_191 = tpu.memref_slice %arg13[%dma_wait3A_189, %dma_wait3A_190] : memref<10000x16xf32, #tpu.memory_space<vmem_shared>> -> memref<10000x16xf32, #tpu.memory_space<vmem_shared>>
    tpu.wait_indirect_dma semaphore(%arg17 : memref<!tpu.dma_semaphore, #tpu.memory_space<semaphore_mem>>) src(%dma_wait3A_191 : memref<10000x16xf32, #tpu.memory_space<vmem_shared>>) dst(%arg9 : memref<2000x16xf32, #tpu.memory_space<vmem>>)
    %dma_start3A_192 = arith.constant 0 : i32
    %dma_start3A_193 = arith.constant 0 : i32
    %dma_start3A_194 = tpu.memref_slice %arg12[%dma_start3A_192, %dma_start3A_193] : memref<10240x16xf32, #tpu.memory_space<vmem_shared>> -> memref<10240x16xf32, #tpu.memory_space<vmem_shared>>
    tpu.enqueue_indirect_dma source(%arg9 : memref<2000x16xf32, #tpu.memory_space<vmem>>) target(%dma_start3A_194 : memref<10240x16xf32, #tpu.memory_space<vmem_shared>>) offsets(%arg7 : memref<2000xi32, #tpu.memory_space<vmem>>) semaphore(%arg19 : memref<!tpu.dma_semaphore, #tpu.memory_space<semaphore_mem>>) {add = true}
    %dma_wait3A_195 = arith.constant 0 : i32
    %dma_wait3A_196 = arith.constant 0 : i32
    %dma_wait3A_197 = tpu.memref_slice %arg12[%dma_wait3A_195, %dma_wait3A_196] : memref<10240x16xf32, #tpu.memory_space<vmem_shared>> -> memref<10240x16xf32, #tpu.memory_space<vmem_shared>>
    tpu.wait_indirect_dma semaphore(%arg20 : memref<!tpu.dma_semaphore, #tpu.memory_space<semaphore_mem>>) src(%arg10 : memref<2000x16xf32, #tpu.memory_space<vmem>>) dst(%dma_wait3A_197 : memref<10240x16xf32, #tpu.memory_space<vmem_shared>>)
    %dma_wait3A_198 = arith.constant 0 : i32
    %dma_wait3A_199 = arith.constant 0 : i32
    %dma_wait3A_200 = tpu.memref_slice %arg12[%dma_wait3A_198, %dma_wait3A_199] : memref<10240x16xf32, #tpu.memory_space<vmem_shared>> -> memref<10240x16xf32, #tpu.memory_space<vmem_shared>>
    tpu.wait_indirect_dma semaphore(%arg19 : memref<!tpu.dma_semaphore, #tpu.memory_space<semaphore_mem>>) src(%arg9 : memref<2000x16xf32, #tpu.memory_space<vmem>>) dst(%dma_wait3A_200 : memref<10240x16xf32, #tpu.memory_space<vmem_shared>>)
    %barrier3A_201 = arith.constant 0 : index
    tpu.barrier barrier_id(%barrier3A_201)
    %mul3A_202 = arith.constant 640 : i32
    %mul3A_203 = arith.muli %arg1, %mul3A_202 : i32
    "tpu.region"() ({
      %run_scoped3A = tpu.sem_alloc : memref<!tpu.dma_semaphore, #tpu.memory_space<semaphore_mem>>
      %dma_start3A_206 = arith.constant 0 : i32
      %dma_start3A_207 = tpu.memref_slice %arg12[%mul3A_203, %dma_start3A_206] : memref<10240x16xf32, #tpu.memory_space<vmem_shared>> -> memref<640x16xf32, #tpu.memory_space<vmem_shared>>
      %dma_start3A_208 = arith.constant 0 : i32
      %dma_start3A_209 = tpu.memref_slice %arg12[%mul3A_203, %dma_start3A_208] : memref<10240x16xf32, #tpu.memory_space<vmem_shared>> -> memref<640x16xf32, #tpu.memory_space<vmem_shared>>
      tpu.enqueue_dma source(%dma_start3A_209 : memref<640x16xf32, #tpu.memory_space<vmem_shared>>) target(%arg11 : memref<640x16xf32, #tpu.memory_space<vmem>>) target_semaphore(%run_scoped3A : memref<!tpu.dma_semaphore, #tpu.memory_space<semaphore_mem>>)
      %dma_wait3A_210 = arith.constant 0 : i32
      %dma_wait3A_211 = tpu.memref_slice %arg12[%mul3A_203, %dma_wait3A_210] : memref<10240x16xf32, #tpu.memory_space<vmem_shared>> -> memref<640x16xf32, #tpu.memory_space<vmem_shared>>
      %dma_wait3A_212 = arith.constant 0 : i32
      %dma_wait3A_213 = tpu.memref_slice %arg12[%mul3A_203, %dma_wait3A_212] : memref<10240x16xf32, #tpu.memory_space<vmem_shared>> -> memref<640x16xf32, #tpu.memory_space<vmem_shared>>
      tpu.wait_dma2 semaphore(%run_scoped3A : memref<!tpu.dma_semaphore, #tpu.memory_space<semaphore_mem>>) src(%dma_wait3A_213 : memref<640x16xf32, #tpu.memory_space<vmem_shared>>) dst(%arg11 : memref<640x16xf32, #tpu.memory_space<vmem>>)
      tpu.yield
    }) : () -> ()
    %mul3A_204 = arith.constant 640 : i32
    %mul3A_205 = arith.muli %arg1, %mul3A_204 : i32
    "tpu.region"() ({
      %run_scoped3A = tpu.sem_alloc : memref<!tpu.dma_semaphore, #tpu.memory_space<semaphore_mem>>
      %dma_start3A_206 = arith.constant 0 : i32
      %dma_start3A_207 = tpu.memref_slice %arg4[%arg0, %mul3A_205, %dma_start3A_206] : memref<2x10240x16xf32, #tpu.memory_space<hbm>> -> memref<1x640x16xf32, #tpu.memory_space<hbm>>
      %dma_start3A_208 = tpu.memref_squeeze %dma_start3A_207 : memref<1x640x16xf32, #tpu.memory_space<hbm>> -> memref<640x16xf32, #tpu.memory_space<hbm>>
      %dma_start3A_209 = arith.constant 0 : i32
      %dma_start3A_210 = tpu.memref_slice %arg4[%arg0, %mul3A_205, %dma_start3A_209] : memref<2x10240x16xf32, #tpu.memory_space<hbm>> -> memref<1x640x16xf32, #tpu.memory_space<hbm>>
      %dma_start3A_211 = tpu.memref_squeeze %dma_start3A_210 : memref<1x640x16xf32, #tpu.memory_space<hbm>> -> memref<640x16xf32, #tpu.memory_space<hbm>>
      tpu.enqueue_dma source(%arg11 : memref<640x16xf32, #tpu.memory_space<vmem>>) target(%dma_start3A_211 : memref<640x16xf32, #tpu.memory_space<hbm>>) target_semaphore(%run_scoped3A : memref<!tpu.dma_semaphore, #tpu.memory_space<semaphore_mem>>)
      %dma_wait3A_212 = arith.constant 0 : i32
      %dma_wait3A_213 = tpu.memref_slice %arg4[%arg0, %mul3A_205, %dma_wait3A_212] : memref<2x10240x16xf32, #tpu.memory_space<hbm>> -> memref<1x640x16xf32, #tpu.memory_space<hbm>>
      %dma_wait3A_214 = tpu.memref_squeeze %dma_wait3A_213 : memref<1x640x16xf32, #tpu.memory_space<hbm>> -> memref<640x16xf32, #tpu.memory_space<hbm>>
      %dma_wait3A_215 = arith.constant 0 : i32
      %dma_wait3A_216 = tpu.memref_slice %arg4[%arg0, %mul3A_205, %dma_wait3A_215] : memref<2x10240x16xf32, #tpu.memory_space<hbm>> -> memref<1x640x16xf32, #tpu.memory_space<hbm>>
      %dma_wait3A_217 = tpu.memref_squeeze %dma_wait3A_216 : memref<1x640x16xf32, #tpu.memory_space<hbm>> -> memref<640x16xf32, #tpu.memory_space<hbm>>
      tpu.wait_dma2 semaphore(%run_scoped3A : memref<!tpu.dma_semaphore, #tpu.memory_space<semaphore_mem>>) src(%arg11 : memref<640x16xf32, #tpu.memory_space<vmem>>) dst(%dma_wait3A_217 : memref<640x16xf32, #tpu.memory_space<hbm>>)
      tpu.yield
    }) : () -> ()
    return
  }
}

#map = affine_map<(d0, d1) -> (0, 0)>
#map1 = affine_map<(d0, d1) -> (0, 0, 0)>
module attributes {stable_mosaic.version = 14 : i64} {
  func.func @_agg_kernel(%arg0: i32, %arg1: i32, %arg2: memref<10000x16xf32, #tpu.memory_space<hbm>>, %arg3: memref<2x320000xi32, #tpu.memory_space<hbm>>, %arg4: memref<2x10240x16xf32, #tpu.memory_space<hbm>>, %arg5: memref<2000xi32, #tpu.memory_space<vmem>>, %arg6: memref<2000xi32, #tpu.memory_space<vmem>>, %arg7: memref<2000xi32, #tpu.memory_space<vmem>>, %arg8: memref<2000xi32, #tpu.memory_space<vmem>>, %arg9: memref<2000x16xf32, #tpu.memory_space<vmem>>, %arg10: memref<2000x16xf32, #tpu.memory_space<vmem>>, %arg11: memref<640x16xf32, #tpu.memory_space<vmem>>, %arg12: memref<10240x16xf32, #tpu.memory_space<vmem_shared>>, %arg13: memref<10000x16xf32, #tpu.memory_space<vmem_shared>>, %arg14: memref<!tpu.dma_semaphore, #tpu.memory_space<semaphore_mem>>, %arg15: memref<!tpu.dma_semaphore, #tpu.memory_space<semaphore_mem>>, %arg16: memref<!tpu.dma_semaphore, #tpu.memory_space<semaphore_mem>>, %arg17: memref<!tpu.dma_semaphore, #tpu.memory_space<semaphore_mem>>, %arg18: memref<!tpu.dma_semaphore, #tpu.memory_space<semaphore_mem>>, %arg19: memref<!tpu.dma_semaphore, #tpu.memory_space<semaphore_mem>>, %arg20: memref<!tpu.dma_semaphore, #tpu.memory_space<semaphore_mem>>, %arg21: memref<!tpu.dma_semaphore, #tpu.memory_space<semaphore_mem>>) attributes {dimension_semantics = [#tpu.dimension_semantics<core_parallel>, #tpu.dimension_semantics<subcore_parallel>], iteration_bounds = array<i64: 2, 16>, scalar_prefetch = 0 : i64, scratch_operands = 17 : i64, tpu.core_type = #tpu.core_type<sc_vector_subcore>, window_params = [{transform_indices = #map}, {transform_indices = #map}, {transform_indices = #map1}]} {
    %mul3A = arith.constant 2 : i32
    %mul3A_0 = arith.muli %arg1, %mul3A : i32
    %add3A = arith.addi %mul3A_0, %arg0 : i32
    %mul3A_1 = arith.constant 10000 : i32
    %mul3A_2 = arith.muli %add3A, %mul3A_1 : i32
    %mul3A_3 = arith.constant 625 : i32
    %mul3A_4 = arith.muli %arg1, %mul3A_3 : i32
    %mul3A_5 = arith.constant 625 : i32
    %mul3A_6 = arith.muli %arg1, %mul3A_5 : i32
    %dma_start3A = arith.constant 0 : i32
    %dma_start3A_7 = tpu.memref_slice %arg13[%mul3A_6, %dma_start3A] : memref<10000x16xf32, #tpu.memory_space<vmem_shared>> -> memref<625x16xf32, #tpu.memory_space<vmem_shared>>
    %dma_start3A_8 = arith.constant 0 : i32
    %dma_start3A_9 = tpu.memref_slice %arg2[%mul3A_4, %dma_start3A_8] : memref<10000x16xf32, #tpu.memory_space<hbm>> -> memref<625x16xf32, #tpu.memory_space<hbm>>
    tpu.enqueue_dma source(%dma_start3A_9 : memref<625x16xf32, #tpu.memory_space<hbm>>) target(%dma_start3A_7 : memref<625x16xf32, #tpu.memory_space<vmem_shared>>) target_semaphore(%arg21 : memref<!tpu.dma_semaphore, #tpu.memory_space<semaphore_mem>>)
    %add3A_10 = arith.constant 0 : i32
    %add3A_11 = arith.addi %mul3A_2, %add3A_10 : i32
    %dma_start3A_12 = arith.constant 0 : i32
    %dma_start3A_13 = tpu.memref_slice %arg3[%dma_start3A_12, %add3A_11] : memref<2x320000xi32, #tpu.memory_space<hbm>> -> memref<1x2000xi32, #tpu.memory_space<hbm>>
    %dma_start3A_14 = tpu.memref_squeeze %dma_start3A_13 : memref<1x2000xi32, #tpu.memory_space<hbm>> -> memref<2000xi32, #tpu.memory_space<hbm>>
    %dma_start3A_15 = tpu.memref_slice %arg3[%dma_start3A_12, %add3A_11] : memref<2x320000xi32, #tpu.memory_space<hbm>> -> memref<1x2000xi32, #tpu.memory_space<hbm>>
    %dma_start3A_16 = tpu.memref_squeeze %dma_start3A_15 : memref<1x2000xi32, #tpu.memory_space<hbm>> -> memref<2000xi32, #tpu.memory_space<hbm>>
    tpu.enqueue_dma source(%dma_start3A_16 : memref<2000xi32, #tpu.memory_space<hbm>>) target(%arg5 : memref<2000xi32, #tpu.memory_space<vmem>>) target_semaphore(%arg14 : memref<!tpu.dma_semaphore, #tpu.memory_space<semaphore_mem>>)
    %add3A_17 = arith.constant 0 : i32
    %add3A_18 = arith.addi %mul3A_2, %add3A_17 : i32
    %dma_start3A_19 = arith.constant 1 : i32
    %dma_start3A_20 = tpu.memref_slice %arg3[%dma_start3A_19, %add3A_18] : memref<2x320000xi32, #tpu.memory_space<hbm>> -> memref<1x2000xi32, #tpu.memory_space<hbm>>
    %dma_start3A_21 = tpu.memref_squeeze %dma_start3A_20 : memref<1x2000xi32, #tpu.memory_space<hbm>> -> memref<2000xi32, #tpu.memory_space<hbm>>
    %dma_start3A_22 = tpu.memref_slice %arg3[%dma_start3A_19, %add3A_18] : memref<2x320000xi32, #tpu.memory_space<hbm>> -> memref<1x2000xi32, #tpu.memory_space<hbm>>
    %dma_start3A_23 = tpu.memref_squeeze %dma_start3A_22 : memref<1x2000xi32, #tpu.memory_space<hbm>> -> memref<2000xi32, #tpu.memory_space<hbm>>
    tpu.enqueue_dma source(%dma_start3A_23 : memref<2000xi32, #tpu.memory_space<hbm>>) target(%arg7 : memref<2000xi32, #tpu.memory_space<vmem>>) target_semaphore(%arg14 : memref<!tpu.dma_semaphore, #tpu.memory_space<semaphore_mem>>)
    %add3A_24 = arith.constant 2000 : i32
    %add3A_25 = arith.addi %mul3A_2, %add3A_24 : i32
    %dma_start3A_26 = arith.constant 0 : i32
    %dma_start3A_27 = tpu.memref_slice %arg3[%dma_start3A_26, %add3A_25] : memref<2x320000xi32, #tpu.memory_space<hbm>> -> memref<1x2000xi32, #tpu.memory_space<hbm>>
    %dma_start3A_28 = tpu.memref_squeeze %dma_start3A_27 : memref<1x2000xi32, #tpu.memory_space<hbm>> -> memref<2000xi32, #tpu.memory_space<hbm>>
    %dma_start3A_29 = tpu.memref_slice %arg3[%dma_start3A_26, %add3A_25] : memref<2x320000xi32, #tpu.memory_space<hbm>> -> memref<1x2000xi32, #tpu.memory_space<hbm>>
    %dma_start3A_30 = tpu.memref_squeeze %dma_start3A_29 : memref<1x2000xi32, #tpu.memory_space<hbm>> -> memref<2000xi32, #tpu.memory_space<hbm>>
    tpu.enqueue_dma source(%dma_start3A_30 : memref<2000xi32, #tpu.memory_space<hbm>>) target(%arg6 : memref<2000xi32, #tpu.memory_space<vmem>>) target_semaphore(%arg15 : memref<!tpu.dma_semaphore, #tpu.memory_space<semaphore_mem>>)
    %add3A_31 = arith.constant 2000 : i32
    %add3A_32 = arith.addi %mul3A_2, %add3A_31 : i32
    %dma_start3A_33 = arith.constant 1 : i32
    %dma_start3A_34 = tpu.memref_slice %arg3[%dma_start3A_33, %add3A_32] : memref<2x320000xi32, #tpu.memory_space<hbm>> -> memref<1x2000xi32, #tpu.memory_space<hbm>>
    %dma_start3A_35 = tpu.memref_squeeze %dma_start3A_34 : memref<1x2000xi32, #tpu.memory_space<hbm>> -> memref<2000xi32, #tpu.memory_space<hbm>>
    %dma_start3A_36 = tpu.memref_slice %arg3[%dma_start3A_33, %add3A_32] : memref<2x320000xi32, #tpu.memory_space<hbm>> -> memref<1x2000xi32, #tpu.memory_space<hbm>>
    %dma_start3A_37 = tpu.memref_squeeze %dma_start3A_36 : memref<1x2000xi32, #tpu.memory_space<hbm>> -> memref<2000xi32, #tpu.memory_space<hbm>>
    tpu.enqueue_dma source(%dma_start3A_37 : memref<2000xi32, #tpu.memory_space<hbm>>) target(%arg8 : memref<2000xi32, #tpu.memory_space<vmem>>) target_semaphore(%arg15 : memref<!tpu.dma_semaphore, #tpu.memory_space<semaphore_mem>>)
    %scan3A = arith.constant 0 : i32
    %scan3A_38 = arith.constant 0 : i32
    %scan3A_39 = arith.constant 640 : i32
    %scan3A_40 = arith.addi %scan3A_38, %scan3A_39 : i32
    %scan3A_41 = arith.constant 1 : i32
    %scan3A_42 = scf.for %scan3A_206 = %scan3A_38 to %scan3A_40 step %scan3A_41 iter_args(%scan3A_207 = %scan3A) -> (i32)  : i32 {
      %broadcast_in_dim3A = arith.constant 0.000000e+00 : f32
      %broadcast_in_dim3A_208 = vector.broadcast %broadcast_in_dim3A : f32 to vector<16xf32>
      %swap3A = arith.index_cast %scan3A_206 : i32 to index
      %swap3A_209 = arith.constant 0 : index
      %swap3A_210 = tpu.vector_load %arg11[%swap3A, %swap3A_209] {strides = array<i32>} : memref<640x16xf32, #tpu.memory_space<vmem>>, vector<1x16xf32>,
      %swap3A_211 = vector.shape_cast %swap3A_210 : vector<1x16xf32> to vector<16xf32>
      %swap3A_212 = vector.shape_cast %broadcast_in_dim3A_208 : vector<16xf32> to vector<1x16xf32>
      tpu.vector_store %arg11[%swap3A, %swap3A_209], %swap3A_212 {strides = array<i32>} : memref<640x16xf32, #tpu.memory_space<vmem>>, vector<1x16xf32>,
      %scan3A_213 = arith.constant 0 : i32
      scf.yield %scan3A_213 : i32
    }
    %scan3A_43 = arith.constant 640 : i32
    %mul3A_44 = arith.constant 640 : i32
    %mul3A_45 = arith.muli %arg1, %mul3A_44 : i32
    "tpu.region"() ({
      %run_scoped3A = tpu.sem_alloc : memref<!tpu.dma_semaphore, #tpu.memory_space<semaphore_mem>>
      %dma_start3A_206 = arith.constant 0 : i32
      %dma_start3A_207 = tpu.memref_slice %arg12[%mul3A_45, %dma_start3A_206] : memref<10240x16xf32, #tpu.memory_space<vmem_shared>> -> memref<640x16xf32, #tpu.memory_space<vmem_shared>>
      %dma_start3A_208 = arith.constant 0 : i32
      %dma_start3A_209 = tpu.memref_slice %arg12[%mul3A_45, %dma_start3A_208] : memref<10240x16xf32, #tpu.memory_space<vmem_shared>> -> memref<640x16xf32, #tpu.memory_space<vmem_shared>>
      tpu.enqueue_dma source(%arg11 : memref<640x16xf32, #tpu.memory_space<vmem>>) target(%dma_start3A_209 : memref<640x16xf32, #tpu.memory_space<vmem_shared>>) target_semaphore(%run_scoped3A : memref<!tpu.dma_semaphore, #tpu.memory_space<semaphore_mem>>)
      %dma_wait3A_210 = arith.constant 0 : i32
      %dma_wait3A_211 = tpu.memref_slice %arg12[%mul3A_45, %dma_wait3A_210] : memref<10240x16xf32, #tpu.memory_space<vmem_shared>> -> memref<640x16xf32, #tpu.memory_space<vmem_shared>>
      %dma_wait3A_212 = arith.constant 0 : i32
      %dma_wait3A_213 = tpu.memref_slice %arg12[%mul3A_45, %dma_wait3A_212] : memref<10240x16xf32, #tpu.memory_space<vmem_shared>> -> memref<640x16xf32, #tpu.memory_space<vmem_shared>>
      tpu.wait_dma2 semaphore(%run_scoped3A : memref<!tpu.dma_semaphore, #tpu.memory_space<semaphore_mem>>) src(%arg11 : memref<640x16xf32, #tpu.memory_space<vmem>>) dst(%dma_wait3A_213 : memref<640x16xf32, #tpu.memory_space<vmem_shared>>)
      tpu.yield
    }) : () -> ()
    %dma_wait3A = arith.constant 0 : i32
    %dma_wait3A_46 = tpu.memref_slice %arg13[%mul3A_6, %dma_wait3A] : memref<10000x16xf32, #tpu.memory_space<vmem_shared>> -> memref<625x16xf32, #tpu.memory_space<vmem_shared>>
    %dma_wait3A_47 = arith.constant 0 : i32
    %dma_wait3A_48 = tpu.memref_slice %arg2[%mul3A_4, %dma_wait3A_47] : memref<10000x16xf32, #tpu.memory_space<hbm>> -> memref<625x16xf32, #tpu.memory_space<hbm>>
    tpu.wait_dma2 semaphore(%arg21 : memref<!tpu.dma_semaphore, #tpu.memory_space<semaphore_mem>>) src(%dma_wait3A_48 : memref<625x16xf32, #tpu.memory_space<hbm>>) dst(%dma_wait3A_46 : memref<625x16xf32, #tpu.memory_space<vmem_shared>>)
    %barrier3A = arith.constant 0 : index
    tpu.barrier barrier_id(%barrier3A)
    %dma_wait3A_49 = arith.constant 0 : i32
    %dma_wait3A_50 = tpu.memref_slice %arg3[%dma_wait3A_49, %add3A_11] : memref<2x320000xi32, #tpu.memory_space<hbm>> -> memref<1x2000xi32, #tpu.memory_space<hbm>>
    %dma_wait3A_51 = tpu.memref_squeeze %dma_wait3A_50 : memref<1x2000xi32, #tpu.memory_space<hbm>> -> memref<2000xi32, #tpu.memory_space<hbm>>
    %dma_wait3A_52 = tpu.memref_slice %arg3[%dma_wait3A_49, %add3A_11] : memref<2x320000xi32, #tpu.memory_space<hbm>> -> memref<1x2000xi32, #tpu.memory_space<hbm>>
    %dma_wait3A_53 = tpu.memref_squeeze %dma_wait3A_52 : memref<1x2000xi32, #tpu.memory_space<hbm>> -> memref<2000xi32, #tpu.memory_space<hbm>>
    tpu.wait_dma2 semaphore(%arg14 : memref<!tpu.dma_semaphore, #tpu.memory_space<semaphore_mem>>) src(%dma_wait3A_53 : memref<2000xi32, #tpu.memory_space<hbm>>) dst(%arg5 : memref<2000xi32, #tpu.memory_space<vmem>>)
    %dma_wait3A_54 = arith.constant 1 : i32
    %dma_wait3A_55 = tpu.memref_slice %arg3[%dma_wait3A_54, %add3A_18] : memref<2x320000xi32, #tpu.memory_space<hbm>> -> memref<1x2000xi32, #tpu.memory_space<hbm>>
    %dma_wait3A_56 = tpu.memref_squeeze %dma_wait3A_55 : memref<1x2000xi32, #tpu.memory_space<hbm>> -> memref<2000xi32, #tpu.memory_space<hbm>>
    %dma_wait3A_57 = tpu.memref_slice %arg3[%dma_wait3A_54, %add3A_18] : memref<2x320000xi32, #tpu.memory_space<hbm>> -> memref<1x2000xi32, #tpu.memory_space<hbm>>
    %dma_wait3A_58 = tpu.memref_squeeze %dma_wait3A_57 : memref<1x2000xi32, #tpu.memory_space<hbm>> -> memref<2000xi32, #tpu.memory_space<hbm>>
    tpu.wait_dma2 semaphore(%arg14 : memref<!tpu.dma_semaphore, #tpu.memory_space<semaphore_mem>>) src(%dma_wait3A_58 : memref<2000xi32, #tpu.memory_space<hbm>>) dst(%arg7 : memref<2000xi32, #tpu.memory_space<vmem>>)
    %dma_start3A_59 = arith.constant 0 : i32
    %dma_start3A_60 = arith.constant 0 : i32
    %dma_start3A_61 = tpu.memref_slice %arg13[%dma_start3A_59, %dma_start3A_60] : memref<10000x16xf32, #tpu.memory_space<vmem_shared>> -> memref<10000x16xf32, #tpu.memory_space<vmem_shared>>
    tpu.enqueue_indirect_dma source(%dma_start3A_61 : memref<10000x16xf32, #tpu.memory_space<vmem_shared>>) target(%arg9 : memref<2000x16xf32, #tpu.memory_space<vmem>>) offsets(%arg5 : memref<2000xi32, #tpu.memory_space<vmem>>) semaphore(%arg17 : memref<!tpu.dma_semaphore, #tpu.memory_space<semaphore_mem>>)
    %dma_wait3A_62 = arith.constant 0 : i32
    %dma_wait3A_63 = arith.constant 0 : i32
    %dma_wait3A_64 = tpu.memref_slice %arg13[%dma_wait3A_62, %dma_wait3A_63] : memref<10000x16xf32, #tpu.memory_space<vmem_shared>> -> memref<10000x16xf32, #tpu.memory_space<vmem_shared>>
    tpu.wait_indirect_dma semaphore(%arg17 : memref<!tpu.dma_semaphore, #tpu.memory_space<semaphore_mem>>) src(%dma_wait3A_64 : memref<10000x16xf32, #tpu.memory_space<vmem_shared>>) dst(%arg9 : memref<2000x16xf32, #tpu.memory_space<vmem>>)
    %dma_start3A_65 = arith.constant 0 : i32
    %dma_start3A_66 = arith.constant 0 : i32
    %dma_start3A_67 = tpu.memref_slice %arg12[%dma_start3A_65, %dma_start3A_66] : memref<10240x16xf32, #tpu.memory_space<vmem_shared>> -> memref<10240x16xf32, #tpu.memory_space<vmem_shared>>
    tpu.enqueue_indirect_dma source(%arg9 : memref<2000x16xf32, #tpu.memory_space<vmem>>) target(%dma_start3A_67 : memref<10240x16xf32, #tpu.memory_space<vmem_shared>>) offsets(%arg7 : memref<2000xi32, #tpu.memory_space<vmem>>) semaphore(%arg19 : memref<!tpu.dma_semaphore, #tpu.memory_space<semaphore_mem>>) {add = true}
    %dma_wait3A_68 = arith.constant 0 : i32
    %dma_wait3A_69 = tpu.memref_slice %arg3[%dma_wait3A_68, %add3A_25] : memref<2x320000xi32, #tpu.memory_space<hbm>> -> memref<1x2000xi32, #tpu.memory_space<hbm>>
    %dma_wait3A_70 = tpu.memref_squeeze %dma_wait3A_69 : memref<1x2000xi32, #tpu.memory_space<hbm>> -> memref<2000xi32, #tpu.memory_space<hbm>>
    %dma_wait3A_71 = tpu.memref_slice %arg3[%dma_wait3A_68, %add3A_25] : memref<2x320000xi32, #tpu.memory_space<hbm>> -> memref<1x2000xi32, #tpu.memory_space<hbm>>
    %dma_wait3A_72 = tpu.memref_squeeze %dma_wait3A_71 : memref<1x2000xi32, #tpu.memory_space<hbm>> -> memref<2000xi32, #tpu.memory_space<hbm>>
    tpu.wait_dma2 semaphore(%arg15 : memref<!tpu.dma_semaphore, #tpu.memory_space<semaphore_mem>>) src(%dma_wait3A_72 : memref<2000xi32, #tpu.memory_space<hbm>>) dst(%arg6 : memref<2000xi32, #tpu.memory_space<vmem>>)
    %dma_wait3A_73 = arith.constant 1 : i32
    %dma_wait3A_74 = tpu.memref_slice %arg3[%dma_wait3A_73, %add3A_32] : memref<2x320000xi32, #tpu.memory_space<hbm>> -> memref<1x2000xi32, #tpu.memory_space<hbm>>
    %dma_wait3A_75 = tpu.memref_squeeze %dma_wait3A_74 : memref<1x2000xi32, #tpu.memory_space<hbm>> -> memref<2000xi32, #tpu.memory_space<hbm>>
    %dma_wait3A_76 = tpu.memref_slice %arg3[%dma_wait3A_73, %add3A_32] : memref<2x320000xi32, #tpu.memory_space<hbm>> -> memref<1x2000xi32, #tpu.memory_space<hbm>>
    %dma_wait3A_77 = tpu.memref_squeeze %dma_wait3A_76 : memref<1x2000xi32, #tpu.memory_space<hbm>> -> memref<2000xi32, #tpu.memory_space<hbm>>
    tpu.wait_dma2 semaphore(%arg15 : memref<!tpu.dma_semaphore, #tpu.memory_space<semaphore_mem>>) src(%dma_wait3A_77 : memref<2000xi32, #tpu.memory_space<hbm>>) dst(%arg8 : memref<2000xi32, #tpu.memory_space<vmem>>)
    %dma_start3A_78 = arith.constant 0 : i32
    %dma_start3A_79 = arith.constant 0 : i32
    %dma_start3A_80 = tpu.memref_slice %arg13[%dma_start3A_78, %dma_start3A_79] : memref<10000x16xf32, #tpu.memory_space<vmem_shared>> -> memref<10000x16xf32, #tpu.memory_space<vmem_shared>>
    tpu.enqueue_indirect_dma source(%dma_start3A_80 : memref<10000x16xf32, #tpu.memory_space<vmem_shared>>) target(%arg10 : memref<2000x16xf32, #tpu.memory_space<vmem>>) offsets(%arg6 : memref<2000xi32, #tpu.memory_space<vmem>>) semaphore(%arg18 : memref<!tpu.dma_semaphore, #tpu.memory_space<semaphore_mem>>)
    %dma_wait3A_81 = arith.constant 0 : i32
    %dma_wait3A_82 = arith.constant 0 : i32
    %dma_wait3A_83 = tpu.memref_slice %arg12[%dma_wait3A_81, %dma_wait3A_82] : memref<10240x16xf32, #tpu.memory_space<vmem_shared>> -> memref<10240x16xf32, #tpu.memory_space<vmem_shared>>
    tpu.wait_indirect_dma semaphore(%arg19 : memref<!tpu.dma_semaphore, #tpu.memory_space<semaphore_mem>>) src(%arg9 : memref<2000x16xf32, #tpu.memory_space<vmem>>) dst(%dma_wait3A_83 : memref<10240x16xf32, #tpu.memory_space<vmem_shared>>)
    %add3A_84 = arith.constant 4000 : i32
    %add3A_85 = arith.addi %mul3A_2, %add3A_84 : i32
    %dma_start3A_86 = arith.constant 0 : i32
    %dma_start3A_87 = tpu.memref_slice %arg3[%dma_start3A_86, %add3A_85] : memref<2x320000xi32, #tpu.memory_space<hbm>> -> memref<1x2000xi32, #tpu.memory_space<hbm>>
    %dma_start3A_88 = tpu.memref_squeeze %dma_start3A_87 : memref<1x2000xi32, #tpu.memory_space<hbm>> -> memref<2000xi32, #tpu.memory_space<hbm>>
    %dma_start3A_89 = tpu.memref_slice %arg3[%dma_start3A_86, %add3A_85] : memref<2x320000xi32, #tpu.memory_space<hbm>> -> memref<1x2000xi32, #tpu.memory_space<hbm>>
    %dma_start3A_90 = tpu.memref_squeeze %dma_start3A_89 : memref<1x2000xi32, #tpu.memory_space<hbm>> -> memref<2000xi32, #tpu.memory_space<hbm>>
    tpu.enqueue_dma source(%dma_start3A_90 : memref<2000xi32, #tpu.memory_space<hbm>>) target(%arg5 : memref<2000xi32, #tpu.memory_space<vmem>>) target_semaphore(%arg16 : memref<!tpu.dma_semaphore, #tpu.memory_space<semaphore_mem>>)
    %add3A_91 = arith.constant 4000 : i32
    %add3A_92 = arith.addi %mul3A_2, %add3A_91 : i32
    %dma_start3A_93 = arith.constant 1 : i32
    %dma_start3A_94 = tpu.memref_slice %arg3[%dma_start3A_93, %add3A_92] : memref<2x320000xi32, #tpu.memory_space<hbm>> -> memref<1x2000xi32, #tpu.memory_space<hbm>>
    %dma_start3A_95 = tpu.memref_squeeze %dma_start3A_94 : memref<1x2000xi32, #tpu.memory_space<hbm>> -> memref<2000xi32, #tpu.memory_space<hbm>>
    %dma_start3A_96 = tpu.memref_slice %arg3[%dma_start3A_93, %add3A_92] : memref<2x320000xi32, #tpu.memory_space<hbm>> -> memref<1x2000xi32, #tpu.memory_space<hbm>>
    %dma_start3A_97 = tpu.memref_squeeze %dma_start3A_96 : memref<1x2000xi32, #tpu.memory_space<hbm>> -> memref<2000xi32, #tpu.memory_space<hbm>>
    tpu.enqueue_dma source(%dma_start3A_97 : memref<2000xi32, #tpu.memory_space<hbm>>) target(%arg7 : memref<2000xi32, #tpu.memory_space<vmem>>) target_semaphore(%arg16 : memref<!tpu.dma_semaphore, #tpu.memory_space<semaphore_mem>>)
    %dma_wait3A_98 = arith.constant 0 : i32
    %dma_wait3A_99 = arith.constant 0 : i32
    %dma_wait3A_100 = tpu.memref_slice %arg13[%dma_wait3A_98, %dma_wait3A_99] : memref<10000x16xf32, #tpu.memory_space<vmem_shared>> -> memref<10000x16xf32, #tpu.memory_space<vmem_shared>>
    tpu.wait_indirect_dma semaphore(%arg18 : memref<!tpu.dma_semaphore, #tpu.memory_space<semaphore_mem>>) src(%dma_wait3A_100 : memref<10000x16xf32, #tpu.memory_space<vmem_shared>>) dst(%arg10 : memref<2000x16xf32, #tpu.memory_space<vmem>>)
    %dma_start3A_101 = arith.constant 0 : i32
    %dma_start3A_102 = arith.constant 0 : i32
    %dma_start3A_103 = tpu.memref_slice %arg12[%dma_start3A_101, %dma_start3A_102] : memref<10240x16xf32, #tpu.memory_space<vmem_shared>> -> memref<10240x16xf32, #tpu.memory_space<vmem_shared>>
    tpu.enqueue_indirect_dma source(%arg10 : memref<2000x16xf32, #tpu.memory_space<vmem>>) target(%dma_start3A_103 : memref<10240x16xf32, #tpu.memory_space<vmem_shared>>) offsets(%arg8 : memref<2000xi32, #tpu.memory_space<vmem>>) semaphore(%arg20 : memref<!tpu.dma_semaphore, #tpu.memory_space<semaphore_mem>>) {add = true}
    %dma_wait3A_104 = arith.constant 0 : i32
    %dma_wait3A_105 = tpu.memref_slice %arg3[%dma_wait3A_104, %add3A_85] : memref<2x320000xi32, #tpu.memory_space<hbm>> -> memref<1x2000xi32, #tpu.memory_space<hbm>>
    %dma_wait3A_106 = tpu.memref_squeeze %dma_wait3A_105 : memref<1x2000xi32, #tpu.memory_space<hbm>> -> memref<2000xi32, #tpu.memory_space<hbm>>
    %dma_wait3A_107 = tpu.memref_slice %arg3[%dma_wait3A_104, %add3A_85] : memref<2x320000xi32, #tpu.memory_space<hbm>> -> memref<1x2000xi32, #tpu.memory_space<hbm>>
    %dma_wait3A_108 = tpu.memref_squeeze %dma_wait3A_107 : memref<1x2000xi32, #tpu.memory_space<hbm>> -> memref<2000xi32, #tpu.memory_space<hbm>>
    tpu.wait_dma2 semaphore(%arg16 : memref<!tpu.dma_semaphore, #tpu.memory_space<semaphore_mem>>) src(%dma_wait3A_108 : memref<2000xi32, #tpu.memory_space<hbm>>) dst(%arg5 : memref<2000xi32, #tpu.memory_space<vmem>>)
    %dma_wait3A_109 = arith.constant 1 : i32
    %dma_wait3A_110 = tpu.memref_slice %arg3[%dma_wait3A_109, %add3A_92] : memref<2x320000xi32, #tpu.memory_space<hbm>> -> memref<1x2000xi32, #tpu.memory_space<hbm>>
    %dma_wait3A_111 = tpu.memref_squeeze %dma_wait3A_110 : memref<1x2000xi32, #tpu.memory_space<hbm>> -> memref<2000xi32, #tpu.memory_space<hbm>>
    %dma_wait3A_112 = tpu.memref_slice %arg3[%dma_wait3A_109, %add3A_92] : memref<2x320000xi32, #tpu.memory_space<hbm>> -> memref<1x2000xi32, #tpu.memory_space<hbm>>
    %dma_wait3A_113 = tpu.memref_squeeze %dma_wait3A_112 : memref<1x2000xi32, #tpu.memory_space<hbm>> -> memref<2000xi32, #tpu.memory_space<hbm>>
    tpu.wait_dma2 semaphore(%arg16 : memref<!tpu.dma_semaphore, #tpu.memory_space<semaphore_mem>>) src(%dma_wait3A_113 : memref<2000xi32, #tpu.memory_space<hbm>>) dst(%arg7 : memref<2000xi32, #tpu.memory_space<vmem>>)
    %dma_start3A_114 = arith.constant 0 : i32
    %dma_start3A_115 = arith.constant 0 : i32
    %dma_start3A_116 = tpu.memref_slice %arg13[%dma_start3A_114, %dma_start3A_115] : memref<10000x16xf32, #tpu.memory_space<vmem_shared>> -> memref<10000x16xf32, #tpu.memory_space<vmem_shared>>
    tpu.enqueue_indirect_dma source(%dma_start3A_116 : memref<10000x16xf32, #tpu.memory_space<vmem_shared>>) target(%arg9 : memref<2000x16xf32, #tpu.memory_space<vmem>>) offsets(%arg5 : memref<2000xi32, #tpu.memory_space<vmem>>) semaphore(%arg17 : memref<!tpu.dma_semaphore, #tpu.memory_space<semaphore_mem>>)
    %dma_wait3A_117 = arith.constant 0 : i32
    %dma_wait3A_118 = arith.constant 0 : i32
    %dma_wait3A_119 = tpu.memref_slice %arg12[%dma_wait3A_117, %dma_wait3A_118] : memref<10240x16xf32, #tpu.memory_space<vmem_shared>> -> memref<10240x16xf32, #tpu.memory_space<vmem_shared>>
    tpu.wait_indirect_dma semaphore(%arg20 : memref<!tpu.dma_semaphore, #tpu.memory_space<semaphore_mem>>) src(%arg10 : memref<2000x16xf32, #tpu.memory_space<vmem>>) dst(%dma_wait3A_119 : memref<10240x16xf32, #tpu.memory_space<vmem_shared>>)
    %add3A_120 = arith.constant 6000 : i32
    %add3A_121 = arith.addi %mul3A_2, %add3A_120 : i32
    %dma_start3A_122 = arith.constant 0 : i32
    %dma_start3A_123 = tpu.memref_slice %arg3[%dma_start3A_122, %add3A_121] : memref<2x320000xi32, #tpu.memory_space<hbm>> -> memref<1x2000xi32, #tpu.memory_space<hbm>>
    %dma_start3A_124 = tpu.memref_squeeze %dma_start3A_123 : memref<1x2000xi32, #tpu.memory_space<hbm>> -> memref<2000xi32, #tpu.memory_space<hbm>>
    %dma_start3A_125 = tpu.memref_slice %arg3[%dma_start3A_122, %add3A_121] : memref<2x320000xi32, #tpu.memory_space<hbm>> -> memref<1x2000xi32, #tpu.memory_space<hbm>>
    %dma_start3A_126 = tpu.memref_squeeze %dma_start3A_125 : memref<1x2000xi32, #tpu.memory_space<hbm>> -> memref<2000xi32, #tpu.memory_space<hbm>>
    tpu.enqueue_dma source(%dma_start3A_126 : memref<2000xi32, #tpu.memory_space<hbm>>) target(%arg6 : memref<2000xi32, #tpu.memory_space<vmem>>) target_semaphore(%arg14 : memref<!tpu.dma_semaphore, #tpu.memory_space<semaphore_mem>>)
    %add3A_127 = arith.constant 6000 : i32
    %add3A_128 = arith.addi %mul3A_2, %add3A_127 : i32
    %dma_start3A_129 = arith.constant 1 : i32
    %dma_start3A_130 = tpu.memref_slice %arg3[%dma_start3A_129, %add3A_128] : memref<2x320000xi32, #tpu.memory_space<hbm>> -> memref<1x2000xi32, #tpu.memory_space<hbm>>
    %dma_start3A_131 = tpu.memref_squeeze %dma_start3A_130 : memref<1x2000xi32, #tpu.memory_space<hbm>> -> memref<2000xi32, #tpu.memory_space<hbm>>
    %dma_start3A_132 = tpu.memref_slice %arg3[%dma_start3A_129, %add3A_128] : memref<2x320000xi32, #tpu.memory_space<hbm>> -> memref<1x2000xi32, #tpu.memory_space<hbm>>
    %dma_start3A_133 = tpu.memref_squeeze %dma_start3A_132 : memref<1x2000xi32, #tpu.memory_space<hbm>> -> memref<2000xi32, #tpu.memory_space<hbm>>
    tpu.enqueue_dma source(%dma_start3A_133 : memref<2000xi32, #tpu.memory_space<hbm>>) target(%arg8 : memref<2000xi32, #tpu.memory_space<vmem>>) target_semaphore(%arg14 : memref<!tpu.dma_semaphore, #tpu.memory_space<semaphore_mem>>)
    %dma_wait3A_134 = arith.constant 0 : i32
    %dma_wait3A_135 = arith.constant 0 : i32
    %dma_wait3A_136 = tpu.memref_slice %arg13[%dma_wait3A_134, %dma_wait3A_135] : memref<10000x16xf32, #tpu.memory_space<vmem_shared>> -> memref<10000x16xf32, #tpu.memory_space<vmem_shared>>
    tpu.wait_indirect_dma semaphore(%arg17 : memref<!tpu.dma_semaphore, #tpu.memory_space<semaphore_mem>>) src(%dma_wait3A_136 : memref<10000x16xf32, #tpu.memory_space<vmem_shared>>) dst(%arg9 : memref<2000x16xf32, #tpu.memory_space<vmem>>)
    %dma_start3A_137 = arith.constant 0 : i32
    %dma_start3A_138 = arith.constant 0 : i32
    %dma_start3A_139 = tpu.memref_slice %arg12[%dma_start3A_137, %dma_start3A_138] : memref<10240x16xf32, #tpu.memory_space<vmem_shared>> -> memref<10240x16xf32, #tpu.memory_space<vmem_shared>>
    tpu.enqueue_indirect_dma source(%arg9 : memref<2000x16xf32, #tpu.memory_space<vmem>>) target(%dma_start3A_139 : memref<10240x16xf32, #tpu.memory_space<vmem_shared>>) offsets(%arg7 : memref<2000xi32, #tpu.memory_space<vmem>>) semaphore(%arg19 : memref<!tpu.dma_semaphore, #tpu.memory_space<semaphore_mem>>) {add = true}
    %dma_wait3A_140 = arith.constant 0 : i32
    %dma_wait3A_141 = tpu.memref_slice %arg3[%dma_wait3A_140, %add3A_121] : memref<2x320000xi32, #tpu.memory_space<hbm>> -> memref<1x2000xi32, #tpu.memory_space<hbm>>
    %dma_wait3A_142 = tpu.memref_squeeze %dma_wait3A_141 : memref<1x2000xi32, #tpu.memory_space<hbm>> -> memref<2000xi32, #tpu.memory_space<hbm>>
    %dma_wait3A_143 = tpu.memref_slice %arg3[%dma_wait3A_140, %add3A_121] : memref<2x320000xi32, #tpu.memory_space<hbm>> -> memref<1x2000xi32, #tpu.memory_space<hbm>>
    %dma_wait3A_144 = tpu.memref_squeeze %dma_wait3A_143 : memref<1x2000xi32, #tpu.memory_space<hbm>> -> memref<2000xi32, #tpu.memory_space<hbm>>
    tpu.wait_dma2 semaphore(%arg14 : memref<!tpu.dma_semaphore, #tpu.memory_space<semaphore_mem>>) src(%dma_wait3A_144 : memref<2000xi32, #tpu.memory_space<hbm>>) dst(%arg6 : memref<2000xi32, #tpu.memory_space<vmem>>)
    %dma_wait3A_145 = arith.constant 1 : i32
    %dma_wait3A_146 = tpu.memref_slice %arg3[%dma_wait3A_145, %add3A_128] : memref<2x320000xi32, #tpu.memory_space<hbm>> -> memref<1x2000xi32, #tpu.memory_space<hbm>>
    %dma_wait3A_147 = tpu.memref_squeeze %dma_wait3A_146 : memref<1x2000xi32, #tpu.memory_space<hbm>> -> memref<2000xi32, #tpu.memory_space<hbm>>
    %dma_wait3A_148 = tpu.memref_slice %arg3[%dma_wait3A_145, %add3A_128] : memref<2x320000xi32, #tpu.memory_space<hbm>> -> memref<1x2000xi32, #tpu.memory_space<hbm>>
    %dma_wait3A_149 = tpu.memref_squeeze %dma_wait3A_148 : memref<1x2000xi32, #tpu.memory_space<hbm>> -> memref<2000xi32, #tpu.memory_space<hbm>>
    tpu.wait_dma2 semaphore(%arg14 : memref<!tpu.dma_semaphore, #tpu.memory_space<semaphore_mem>>) src(%dma_wait3A_149 : memref<2000xi32, #tpu.memory_space<hbm>>) dst(%arg8 : memref<2000xi32, #tpu.memory_space<vmem>>)
    %dma_start3A_150 = arith.constant 0 : i32
    %dma_start3A_151 = arith.constant 0 : i32
    %dma_start3A_152 = tpu.memref_slice %arg13[%dma_start3A_150, %dma_start3A_151] : memref<10000x16xf32, #tpu.memory_space<vmem_shared>> -> memref<10000x16xf32, #tpu.memory_space<vmem_shared>>
    tpu.enqueue_indirect_dma source(%dma_start3A_152 : memref<10000x16xf32, #tpu.memory_space<vmem_shared>>) target(%arg10 : memref<2000x16xf32, #tpu.memory_space<vmem>>) offsets(%arg6 : memref<2000xi32, #tpu.memory_space<vmem>>) semaphore(%arg18 : memref<!tpu.dma_semaphore, #tpu.memory_space<semaphore_mem>>)
    %dma_wait3A_153 = arith.constant 0 : i32
    %dma_wait3A_154 = arith.constant 0 : i32
    %dma_wait3A_155 = tpu.memref_slice %arg12[%dma_wait3A_153, %dma_wait3A_154] : memref<10240x16xf32, #tpu.memory_space<vmem_shared>> -> memref<10240x16xf32, #tpu.memory_space<vmem_shared>>
    tpu.wait_indirect_dma semaphore(%arg19 : memref<!tpu.dma_semaphore, #tpu.memory_space<semaphore_mem>>) src(%arg9 : memref<2000x16xf32, #tpu.memory_space<vmem>>) dst(%dma_wait3A_155 : memref<10240x16xf32, #tpu.memory_space<vmem_shared>>)
    %add3A_156 = arith.constant 8000 : i32
    %add3A_157 = arith.addi %mul3A_2, %add3A_156 : i32
    %dma_start3A_158 = arith.constant 0 : i32
    %dma_start3A_159 = tpu.memref_slice %arg3[%dma_start3A_158, %add3A_157] : memref<2x320000xi32, #tpu.memory_space<hbm>> -> memref<1x2000xi32, #tpu.memory_space<hbm>>
    %dma_start3A_160 = tpu.memref_squeeze %dma_start3A_159 : memref<1x2000xi32, #tpu.memory_space<hbm>> -> memref<2000xi32, #tpu.memory_space<hbm>>
    %dma_start3A_161 = tpu.memref_slice %arg3[%dma_start3A_158, %add3A_157] : memref<2x320000xi32, #tpu.memory_space<hbm>> -> memref<1x2000xi32, #tpu.memory_space<hbm>>
    %dma_start3A_162 = tpu.memref_squeeze %dma_start3A_161 : memref<1x2000xi32, #tpu.memory_space<hbm>> -> memref<2000xi32, #tpu.memory_space<hbm>>
    tpu.enqueue_dma source(%dma_start3A_162 : memref<2000xi32, #tpu.memory_space<hbm>>) target(%arg5 : memref<2000xi32, #tpu.memory_space<vmem>>) target_semaphore(%arg15 : memref<!tpu.dma_semaphore, #tpu.memory_space<semaphore_mem>>)
    %add3A_163 = arith.constant 8000 : i32
    %add3A_164 = arith.addi %mul3A_2, %add3A_163 : i32
    %dma_start3A_165 = arith.constant 1 : i32
    %dma_start3A_166 = tpu.memref_slice %arg3[%dma_start3A_165, %add3A_164] : memref<2x320000xi32, #tpu.memory_space<hbm>> -> memref<1x2000xi32, #tpu.memory_space<hbm>>
    %dma_start3A_167 = tpu.memref_squeeze %dma_start3A_166 : memref<1x2000xi32, #tpu.memory_space<hbm>> -> memref<2000xi32, #tpu.memory_space<hbm>>
    %dma_start3A_168 = tpu.memref_slice %arg3[%dma_start3A_165, %add3A_164] : memref<2x320000xi32, #tpu.memory_space<hbm>> -> memref<1x2000xi32, #tpu.memory_space<hbm>>
    %dma_start3A_169 = tpu.memref_squeeze %dma_start3A_168 : memref<1x2000xi32, #tpu.memory_space<hbm>> -> memref<2000xi32, #tpu.memory_space<hbm>>
    tpu.enqueue_dma source(%dma_start3A_169 : memref<2000xi32, #tpu.memory_space<hbm>>) target(%arg7 : memref<2000xi32, #tpu.memory_space<vmem>>) target_semaphore(%arg15 : memref<!tpu.dma_semaphore, #tpu.memory_space<semaphore_mem>>)
    %dma_wait3A_170 = arith.constant 0 : i32
    %dma_wait3A_171 = arith.constant 0 : i32
    %dma_wait3A_172 = tpu.memref_slice %arg13[%dma_wait3A_170, %dma_wait3A_171] : memref<10000x16xf32, #tpu.memory_space<vmem_shared>> -> memref<10000x16xf32, #tpu.memory_space<vmem_shared>>
    tpu.wait_indirect_dma semaphore(%arg18 : memref<!tpu.dma_semaphore, #tpu.memory_space<semaphore_mem>>) src(%dma_wait3A_172 : memref<10000x16xf32, #tpu.memory_space<vmem_shared>>) dst(%arg10 : memref<2000x16xf32, #tpu.memory_space<vmem>>)
    %dma_start3A_173 = arith.constant 0 : i32
    %dma_start3A_174 = arith.constant 0 : i32
    %dma_start3A_175 = tpu.memref_slice %arg12[%dma_start3A_173, %dma_start3A_174] : memref<10240x16xf32, #tpu.memory_space<vmem_shared>> -> memref<10240x16xf32, #tpu.memory_space<vmem_shared>>
    tpu.enqueue_indirect_dma source(%arg10 : memref<2000x16xf32, #tpu.memory_space<vmem>>) target(%dma_start3A_175 : memref<10240x16xf32, #tpu.memory_space<vmem_shared>>) offsets(%arg8 : memref<2000xi32, #tpu.memory_space<vmem>>) semaphore(%arg20 : memref<!tpu.dma_semaphore, #tpu.memory_space<semaphore_mem>>) {add = true}
    %dma_wait3A_176 = arith.constant 0 : i32
    %dma_wait3A_177 = tpu.memref_slice %arg3[%dma_wait3A_176, %add3A_157] : memref<2x320000xi32, #tpu.memory_space<hbm>> -> memref<1x2000xi32, #tpu.memory_space<hbm>>
    %dma_wait3A_178 = tpu.memref_squeeze %dma_wait3A_177 : memref<1x2000xi32, #tpu.memory_space<hbm>> -> memref<2000xi32, #tpu.memory_space<hbm>>
    %dma_wait3A_179 = tpu.memref_slice %arg3[%dma_wait3A_176, %add3A_157] : memref<2x320000xi32, #tpu.memory_space<hbm>> -> memref<1x2000xi32, #tpu.memory_space<hbm>>
    %dma_wait3A_180 = tpu.memref_squeeze %dma_wait3A_179 : memref<1x2000xi32, #tpu.memory_space<hbm>> -> memref<2000xi32, #tpu.memory_space<hbm>>
    tpu.wait_dma2 semaphore(%arg15 : memref<!tpu.dma_semaphore, #tpu.memory_space<semaphore_mem>>) src(%dma_wait3A_180 : memref<2000xi32, #tpu.memory_space<hbm>>) dst(%arg5 : memref<2000xi32, #tpu.memory_space<vmem>>)
    %dma_wait3A_181 = arith.constant 1 : i32
    %dma_wait3A_182 = tpu.memref_slice %arg3[%dma_wait3A_181, %add3A_164] : memref<2x320000xi32, #tpu.memory_space<hbm>> -> memref<1x2000xi32, #tpu.memory_space<hbm>>
    %dma_wait3A_183 = tpu.memref_squeeze %dma_wait3A_182 : memref<1x2000xi32, #tpu.memory_space<hbm>> -> memref<2000xi32, #tpu.memory_space<hbm>>
    %dma_wait3A_184 = tpu.memref_slice %arg3[%dma_wait3A_181, %add3A_164] : memref<2x320000xi32, #tpu.memory_space<hbm>> -> memref<1x2000xi32, #tpu.memory_space<hbm>>
    %dma_wait3A_185 = tpu.memref_squeeze %dma_wait3A_184 : memref<1x2000xi32, #tpu.memory_space<hbm>> -> memref<2000xi32, #tpu.memory_space<hbm>>
    tpu.wait_dma2 semaphore(%arg15 : memref<!tpu.dma_semaphore, #tpu.memory_space<semaphore_mem>>) src(%dma_wait3A_185 : memref<2000xi32, #tpu.memory_space<hbm>>) dst(%arg7 : memref<2000xi32, #tpu.memory_space<vmem>>)
    %dma_start3A_186 = arith.constant 0 : i32
    %dma_start3A_187 = arith.constant 0 : i32
    %dma_start3A_188 = tpu.memref_slice %arg13[%dma_start3A_186, %dma_start3A_187] : memref<10000x16xf32, #tpu.memory_space<vmem_shared>> -> memref<10000x16xf32, #tpu.memory_space<vmem_shared>>
    tpu.enqueue_indirect_dma source(%dma_start3A_188 : memref<10000x16xf32, #tpu.memory_space<vmem_shared>>) target(%arg9 : memref<2000x16xf32, #tpu.memory_space<vmem>>) offsets(%arg5 : memref<2000xi32, #tpu.memory_space<vmem>>) semaphore(%arg17 : memref<!tpu.dma_semaphore, #tpu.memory_space<semaphore_mem>>)
    %dma_wait3A_189 = arith.constant 0 : i32
    %dma_wait3A_190 = arith.constant 0 : i32
    %dma_wait3A_191 = tpu.memref_slice %arg13[%dma_wait3A_189, %dma_wait3A_190] : memref<10000x16xf32, #tpu.memory_space<vmem_shared>> -> memref<10000x16xf32, #tpu.memory_space<vmem_shared>>
    tpu.wait_indirect_dma semaphore(%arg17 : memref<!tpu.dma_semaphore, #tpu.memory_space<semaphore_mem>>) src(%dma_wait3A_191 : memref<10000x16xf32, #tpu.memory_space<vmem_shared>>) dst(%arg9 : memref<2000x16xf32, #tpu.memory_space<vmem>>)
    %dma_start3A_192 = arith.constant 0 : i32
    %dma_start3A_193 = arith.constant 0 : i32
    %dma_start3A_194 = tpu.memref_slice %arg12[%dma_start3A_192, %dma_start3A_193] : memref<10240x16xf32, #tpu.memory_space<vmem_shared>> -> memref<10240x16xf32, #tpu.memory_space<vmem_shared>>
    tpu.enqueue_indirect_dma source(%arg9 : memref<2000x16xf32, #tpu.memory_space<vmem>>) target(%dma_start3A_194 : memref<10240x16xf32, #tpu.memory_space<vmem_shared>>) offsets(%arg7 : memref<2000xi32, #tpu.memory_space<vmem>>) semaphore(%arg19 : memref<!tpu.dma_semaphore, #tpu.memory_space<semaphore_mem>>) {add = true}
    %dma_wait3A_195 = arith.constant 0 : i32
    %dma_wait3A_196 = arith.constant 0 : i32
    %dma_wait3A_197 = tpu.memref_slice %arg12[%dma_wait3A_195, %dma_wait3A_196] : memref<10240x16xf32, #tpu.memory_space<vmem_shared>> -> memref<10240x16xf32, #tpu.memory_space<vmem_shared>>
    tpu.wait_indirect_dma semaphore(%arg20 : memref<!tpu.dma_semaphore, #tpu.memory_space<semaphore_mem>>) src(%arg10 : memref<2000x16xf32, #tpu.memory_space<vmem>>) dst(%dma_wait3A_197 : memref<10240x16xf32, #tpu.memory_space<vmem_shared>>)
    %dma_wait3A_198 = arith.constant 0 : i32
    %dma_wait3A_199 = arith.constant 0 : i32
    %dma_wait3A_200 = tpu.memref_slice %arg12[%dma_wait3A_198, %dma_wait3A_199] : memref<10240x16xf32, #tpu.memory_space<vmem_shared>> -> memref<10240x16xf32, #tpu.memory_space<vmem_shared>>
    tpu.wait_indirect_dma semaphore(%arg19 : memref<!tpu.dma_semaphore, #tpu.memory_space<semaphore_mem>>) src(%arg9 : memref<2000x16xf32, #tpu.memory_space<vmem>>) dst(%dma_wait3A_200 : memref<10240x16xf32, #tpu.memory_space<vmem_shared>>)
    %barrier3A_201 = arith.constant 0 : index
    tpu.barrier barrier_id(%barrier3A_201)
    %mul3A_202 = arith.constant 640 : i32
    %mul3A_203 = arith.muli %arg1, %mul3A_202 : i32
    "tpu.region"() ({
      %run_scoped3A = tpu.sem_alloc : memref<!tpu.dma_semaphore, #tpu.memory_space<semaphore_mem>>
      %dma_start3A_206 = arith.constant 0 : i32
      %dma_start3A_207 = tpu.memref_slice %arg12[%mul3A_203, %dma_start3A_206] : memref<10240x16xf32, #tpu.memory_space<vmem_shared>> -> memref<640x16xf32, #tpu.memory_space<vmem_shared>>
      %dma_start3A_208 = arith.constant 0 : i32
      %dma_start3A_209 = tpu.memref_slice %arg12[%mul3A_203, %dma_start3A_208] : memref<10240x16xf32, #tpu.memory_space<vmem_shared>> -> memref<640x16xf32, #tpu.memory_space<vmem_shared>>
      tpu.enqueue_dma source(%dma_start3A_209 : memref<640x16xf32, #tpu.memory_space<vmem_shared>>) target(%arg11 : memref<640x16xf32, #tpu.memory_space<vmem>>) target_semaphore(%run_scoped3A : memref<!tpu.dma_semaphore, #tpu.memory_space<semaphore_mem>>)
      %dma_wait3A_210 = arith.constant 0 : i32
      %dma_wait3A_211 = tpu.memref_slice %arg12[%mul3A_203, %dma_wait3A_210] : memref<10240x16xf32, #tpu.memory_space<vmem_shared>> -> memref<640x16xf32, #tpu.memory_space<vmem_shared>>
      %dma_wait3A_212 = arith.constant 0 : i32
      %dma_wait3A_213 = tpu.memref_slice %arg12[%mul3A_203, %dma_wait3A_212] : memref<10240x16xf32, #tpu.memory_space<vmem_shared>> -> memref<640x16xf32, #tpu.memory_space<vmem_shared>>
      tpu.wait_dma2 semaphore(%run_scoped3A : memref<!tpu.dma_semaphore, #tpu.memory_space<semaphore_mem>>) src(%dma_wait3A_213 : memref<640x16xf32, #tpu.memory_space<vmem_shared>>) dst(%arg11 : memref<640x16xf32, #tpu.memory_space<vmem>>)
      tpu.yield
    }) : () -> ()
    %mul3A_204 = arith.constant 640 : i32
    %mul3A_205 = arith.muli %arg1, %mul3A_204 : i32
    "tpu.region"() ({
      %run_scoped3A = tpu.sem_alloc : memref<!tpu.dma_semaphore, #tpu.memory_space<semaphore_mem>>
      %dma_start3A_206 = arith.constant 0 : i32
      %dma_start3A_207 = tpu.memref_slice %arg4[%arg0, %mul3A_205, %dma_start3A_206] : memref<2x10240x16xf32, #tpu.memory_space<hbm>> -> memref<1x640x16xf32, #tpu.memory_space<hbm>>
      %dma_start3A_208 = tpu.memref_squeeze %dma_start3A_207 : memref<1x640x16xf32, #tpu.memory_space<hbm>> -> memref<640x16xf32, #tpu.memory_space<hbm>>
      %dma_start3A_209 = arith.constant 0 : i32
      %dma_start3A_210 = tpu.memref_slice %arg4[%arg0, %mul3A_205, %dma_start3A_209] : memref<2x10240x16xf32, #tpu.memory_space<hbm>> -> memref<1x640x16xf32, #tpu.memory_space<hbm>>
      %dma_start3A_211 = tpu.memref_squeeze %dma_start3A_210 : memref<1x640x16xf32, #tpu.memory_space<hbm>> -> memref<640x16xf32, #tpu.memory_space<hbm>>
      tpu.enqueue_dma source(%arg11 : memref<640x16xf32, #tpu.memory_space<vmem>>) target(%dma_start3A_211 : memref<640x16xf32, #tpu.memory_space<hbm>>) target_semaphore(%run_scoped3A : memref<!tpu.dma_semaphore, #tpu.memory_space<semaphore_mem>>)
      %dma_wait3A_212 = arith.constant 0 : i32
      %dma_wait3A_213 = tpu.memref_slice %arg4[%arg0, %mul3A_205, %dma_wait3A_212] : memref<2x10240x16xf32, #tpu.memory_space<hbm>> -> memref<1x640x16xf32, #tpu.memory_space<hbm>>
      %dma_wait3A_214 = tpu.memref_squeeze %dma_wait3A_213 : memref<1x640x16xf32, #tpu.memory_space<hbm>> -> memref<640x16xf32, #tpu.memory_space<hbm>>
      %dma_wait3A_215 = arith.constant 0 : i32
      %dma_wait3A_216 = tpu.memref_slice %arg4[%arg0, %mul3A_205, %dma_wait3A_215] : memref<2x10240x16xf32, #tpu.memory_space<hbm>> -> memref<1x640x16xf32, #tpu.memory_space<hbm>>
      %dma_wait3A_217 = tpu.memref_squeeze %dma_wait3A_216 : memref<1x640x16xf32, #tpu.memory_space<hbm>> -> memref<640x16xf32, #tpu.memory_space<hbm>>
      tpu.wait_dma2 semaphore(%run_scoped3A : memref<!tpu.dma_semaphore, #tpu.memory_space<semaphore_mem>>) src(%arg11 : memref<640x16xf32, #tpu.memory_space<vmem>>) dst(%dma_wait3A_217 : memref<640x16xf32, #tpu.memory_space<hbm>>)
      tpu.yield
    }) : () -> ()
    return
  }
}

module attributes {stable_mosaic.version = 14 : i64} {
  func.func @_mm_body(%arg0: memref<1250x1024xf32, #tpu.memory_space<vmem>>, %arg1: memref<1024x128xf32, #tpu.memory_space<vmem>>, %arg2: memref<1250x128xf32, #tpu.memory_space<vmem>>) attributes {dimension_semantics = [], scalar_prefetch = 0 : i64, scratch_operands = 0 : i64, tpu.core_type = #tpu.core_type<tc>} {
    %get3A = arith.constant 0 : index
    %get3A_0 = arith.constant 0 : index
    %get3A_1 = vector.load %arg0[%get3A, %get3A_0] : memref<1250x1024xf32, #tpu.memory_space<vmem>>, vector<1250x1024xf32>
    %get3A_2 = arith.constant 0 : index
    %get3A_3 = arith.constant 0 : index
    %get3A_4 = vector.load %arg1[%get3A_2, %get3A_3] : memref<1024x128xf32, #tpu.memory_space<vmem>>, vector<1024x128xf32>
    %dot_general3A = arith.constant dense<0.000000e+00> : vector<1250x128xf32>
    %dot_general3A_5 = tpu.matmul %get3A_1, %get3A_4, %dot_general3A {dimension_numbers = #tpu.dot_dimension_numbers<[1], [0], [0], [1], [0, 0, 1, 1], [], []>, transpose_lhs_hint = false} : vector<1250x1024xf32>, vector<1024x128xf32>, vector<1250x128xf32> -> vector<1250x128xf32>
    %swap3A = arith.constant 0 : index
    %swap3A_6 = arith.constant 0 : index
    %swap3A_7 = vector.load %arg2[%swap3A, %swap3A_6] : memref<1250x128xf32, #tpu.memory_space<vmem>>, vector<1250x128xf32>
    tpu.vector_store %arg2[%swap3A, %swap3A_6], %dot_general3A_5 {strides = array<i32>} : memref<1250x128xf32, #tpu.memory_space<vmem>>, vector<1250x128xf32>,
    return
  }
}

module attributes {stable_mosaic.version = 14 : i64} {
  func.func @_scale_body(%arg0: memref<2x1280x128xf32, #tpu.memory_space<vmem>>, %arg1: memref<1250x128xf32, #tpu.memory_space<vmem>>, %arg2: memref<1250x128xf32, #tpu.memory_space<vmem>>) attributes {dimension_semantics = [], scalar_prefetch = 0 : i64, scratch_operands = 0 : i64, tpu.core_type = #tpu.core_type<tc>} {
    %get3A = arith.constant 0 : index
    %get3A_0 = arith.constant 0 : index
    %get3A_1 = vector.load %arg1[%get3A, %get3A_0] : memref<1250x128xf32, #tpu.memory_space<vmem>>, vector<1250x128xf32>
    %get3A_2 = arith.constant 0 : index
    %get3A_3 = arith.constant 0 : index
    %get3A_4 = arith.constant 0 : index
    %get3A_5 = vector.load %arg0[%get3A_2, %get3A_3, %get3A_4] : memref<2x1280x128xf32, #tpu.memory_space<vmem>>, vector<1x1250x128xf32>
    %get3A_6 = vector.shape_cast %get3A_5 : vector<1x1250x128xf32> to vector<1250x128xf32>
    %get3A_7 = arith.constant 1 : index
    %get3A_8 = arith.constant 0 : index
    %get3A_9 = arith.constant 0 : index
    %get3A_10 = vector.load %arg0[%get3A_7, %get3A_8, %get3A_9] : memref<2x1280x128xf32, #tpu.memory_space<vmem>>, vector<1x1250x128xf32>
    %get3A_11 = vector.shape_cast %get3A_10 : vector<1x1250x128xf32> to vector<1250x128xf32>
    %add3A = arith.addf %get3A_6, %get3A_11 : vector<1250x128xf32>
    %add3A_12 = arith.constant 1.000000e+00 : f32
    %add3A_13 = vector.broadcast %add3A_12 : f32 to vector<1250x128xf32>
    %add3A_14 = arith.addf %add3A, %add3A_13 : vector<1250x128xf32>
    %rsqrt3A = math.rsqrt %add3A_14 : vector<1250x128xf32>
    %mul3A = arith.mulf %get3A_1, %rsqrt3A : vector<1250x128xf32>
    %swap3A = arith.constant 0 : index
    %swap3A_15 = arith.constant 0 : index
    %swap3A_16 = vector.load %arg2[%swap3A, %swap3A_15] : memref<1250x128xf32, #tpu.memory_space<vmem>>, vector<1250x128xf32>
    tpu.vector_store %arg2[%swap3A, %swap3A_15], %mul3A {strides = array<i32>} : memref<1250x128xf32, #tpu.memory_space<vmem>>, vector<1250x128xf32>,
    return
  }
}

module attributes {stable_mosaic.version = 14 : i64} {
  func.func @_mid_body(%arg0: memref<2x1280x128xf32, #tpu.memory_space<vmem>>, %arg1: memref<2x1280x128xf32, #tpu.memory_space<vmem>>, %arg2: memref<1250x128xf32, #tpu.memory_space<vmem>>, %arg3: memref<128x128xf32, #tpu.memory_space<vmem>>, %arg4: memref<1x128xf32, #tpu.memory_space<vmem>>, %arg5: memref<1250x128xf32, #tpu.memory_space<vmem>>, %arg6: memref<1250x128xf32, #tpu.memory_space<vmem>>) attributes {dimension_semantics = [], scalar_prefetch = 0 : i64, scratch_operands = 0 : i64, tpu.core_type = #tpu.core_type<tc>} {
    %get3A = arith.constant 0 : index
    %get3A_0 = arith.constant 0 : index
    %get3A_1 = arith.constant 0 : index
    %get3A_2 = vector.load %arg0[%get3A, %get3A_0, %get3A_1] : memref<2x1280x128xf32, #tpu.memory_space<vmem>>, vector<1x1250x128xf32>
    %get3A_3 = vector.shape_cast %get3A_2 : vector<1x1250x128xf32> to vector<1250x128xf32>
    %get3A_4 = arith.constant 1 : index
    %get3A_5 = arith.constant 0 : index
    %get3A_6 = arith.constant 0 : index
    %get3A_7 = vector.load %arg0[%get3A_4, %get3A_5, %get3A_6] : memref<2x1280x128xf32, #tpu.memory_space<vmem>>, vector<1x1250x128xf32>
    %get3A_8 = vector.shape_cast %get3A_7 : vector<1x1250x128xf32> to vector<1250x128xf32>
    %add3A = arith.addf %get3A_3, %get3A_8 : vector<1250x128xf32>
    %add3A_9 = arith.constant 1.000000e+00 : f32
    %add3A_10 = vector.broadcast %add3A_9 : f32 to vector<1250x128xf32>
    %add3A_11 = arith.addf %add3A, %add3A_10 : vector<1250x128xf32>
    %rsqrt3A = math.rsqrt %add3A_11 : vector<1250x128xf32>
    %get3A_12 = arith.constant 0 : index
    %get3A_13 = arith.constant 0 : index
    %get3A_14 = arith.constant 0 : index
    %get3A_15 = vector.load %arg1[%get3A_12, %get3A_13, %get3A_14] : memref<2x1280x128xf32, #tpu.memory_space<vmem>>, vector<1x1250x128xf32>
    %get3A_16 = vector.shape_cast %get3A_15 : vector<1x1250x128xf32> to vector<1250x128xf32>
    %get3A_17 = arith.constant 1 : index
    %get3A_18 = arith.constant 0 : index
    %get3A_19 = arith.constant 0 : index
    %get3A_20 = vector.load %arg1[%get3A_17, %get3A_18, %get3A_19] : memref<2x1280x128xf32, #tpu.memory_space<vmem>>, vector<1x1250x128xf32>
    %get3A_21 = vector.shape_cast %get3A_20 : vector<1x1250x128xf32> to vector<1250x128xf32>
    %add3A_22 = arith.addf %get3A_16, %get3A_21 : vector<1250x128xf32>
    %get3A_23 = arith.constant 0 : index
    %get3A_24 = arith.constant 0 : index
    %get3A_25 = vector.load %arg2[%get3A_23, %get3A_24] : memref<1250x128xf32, #tpu.memory_space<vmem>>, vector<1250x128xf32>
    %add3A_26 = arith.addf %add3A_22, %get3A_25 : vector<1250x128xf32>
    %mul3A = arith.mulf %add3A_26, %rsqrt3A : vector<1250x128xf32>
    %get3A_27 = arith.constant 0 : index
    %get3A_28 = arith.constant 0 : index
    %get3A_29 = vector.load %arg4[%get3A_27, %get3A_28] : memref<1x128xf32, #tpu.memory_space<vmem>>, vector<1x128xf32>
    %get3A_30 = vector.shape_cast %get3A_29 : vector<1x128xf32> to vector<128xf32>
    %broadcast_in_dim3A = vector.shape_cast %get3A_30 : vector<128xf32> to vector<1x128xf32>
    %add3A_31 = vector.broadcast %broadcast_in_dim3A : vector<1x128xf32> to vector<1250x128xf32>
    %add3A_32 = arith.addf %mul3A, %add3A_31 : vector<1250x128xf32>
    %max3A = arith.constant 0.000000e+00 : f32
    %max3A_33 = vector.broadcast %max3A : f32 to vector<1250x128xf32>
    %max3A_34 = arith.maximumf %add3A_32, %max3A_33 : vector<1250x128xf32>
    %swap3A = arith.constant 0 : index
    %swap3A_35 = arith.constant 0 : index
    %swap3A_36 = vector.load %arg5[%swap3A, %swap3A_35] : memref<1250x128xf32, #tpu.memory_space<vmem>>, vector<1250x128xf32>
    tpu.vector_store %arg5[%swap3A, %swap3A_35], %max3A_34 {strides = array<i32>} : memref<1250x128xf32, #tpu.memory_space<vmem>>, vector<1250x128xf32>,
    %get3A_37 = arith.constant 0 : index
    %get3A_38 = arith.constant 0 : index
    %get3A_39 = vector.load %arg3[%get3A_37, %get3A_38] : memref<128x128xf32, #tpu.memory_space<vmem>>, vector<128x128xf32>
    %dot_general3A = arith.constant dense<0.000000e+00> : vector<1250x128xf32>
    %dot_general3A_40 = tpu.matmul %max3A_34, %get3A_39, %dot_general3A {dimension_numbers = #tpu.dot_dimension_numbers<[1], [0], [0], [1], [0, 0, 1, 1], [], []>, transpose_lhs_hint = false} : vector<1250x128xf32>, vector<128x128xf32>, vector<1250x128xf32> -> vector<1250x128xf32>
    %mul3A_41 = arith.mulf %dot_general3A_40, %rsqrt3A : vector<1250x128xf32>
    %swap3A_42 = arith.constant 0 : index
    %swap3A_43 = arith.constant 0 : index
    %swap3A_44 = vector.load %arg6[%swap3A_42, %swap3A_43] : memref<1250x128xf32, #tpu.memory_space<vmem>>, vector<1250x128xf32>
    tpu.vector_store %arg6[%swap3A_42, %swap3A_43], %mul3A_41 {strides = array<i32>} : memref<1250x128xf32, #tpu.memory_space<vmem>>, vector<1250x128xf32>,
    return
  }
}

module attributes {stable_mosaic.version = 14 : i64} {
  func.func @_fin_body(%arg0: memref<2x1280x128xf32, #tpu.memory_space<vmem>>, %arg1: memref<2x1280x128xf32, #tpu.memory_space<vmem>>, %arg2: memref<1250x128xf32, #tpu.memory_space<vmem>>, %arg3: memref<1x128xf32, #tpu.memory_space<vmem>>, %arg4: memref<1250x128xf32, #tpu.memory_space<vmem>>) attributes {dimension_semantics = [], scalar_prefetch = 0 : i64, scratch_operands = 0 : i64, tpu.core_type = #tpu.core_type<tc>} {
    %get3A = arith.constant 0 : index
    %get3A_0 = arith.constant 0 : index
    %get3A_1 = arith.constant 0 : index
    %get3A_2 = vector.load %arg1[%get3A, %get3A_0, %get3A_1] : memref<2x1280x128xf32, #tpu.memory_space<vmem>>, vector<1x1250x128xf32>
    %get3A_3 = vector.shape_cast %get3A_2 : vector<1x1250x128xf32> to vector<1250x128xf32>
    %get3A_4 = arith.constant 1 : index
    %get3A_5 = arith.constant 0 : index
    %get3A_6 = arith.constant 0 : index
    %get3A_7 = vector.load %arg1[%get3A_4, %get3A_5, %get3A_6] : memref<2x1280x128xf32, #tpu.memory_space<vmem>>, vector<1x1250x128xf32>
    %get3A_8 = vector.shape_cast %get3A_7 : vector<1x1250x128xf32> to vector<1250x128xf32>
    %add3A = arith.addf %get3A_3, %get3A_8 : vector<1250x128xf32>
    %get3A_9 = arith.constant 0 : index
    %get3A_10 = arith.constant 0 : index
    %get3A_11 = vector.load %arg2[%get3A_9, %get3A_10] : memref<1250x128xf32, #tpu.memory_space<vmem>>, vector<1250x128xf32>
    %add3A_12 = arith.addf %add3A, %get3A_11 : vector<1250x128xf32>
    %get3A_13 = arith.constant 0 : index
    %get3A_14 = arith.constant 0 : index
    %get3A_15 = arith.constant 0 : index
    %get3A_16 = vector.load %arg0[%get3A_13, %get3A_14, %get3A_15] : memref<2x1280x128xf32, #tpu.memory_space<vmem>>, vector<1x1250x128xf32>
    %get3A_17 = vector.shape_cast %get3A_16 : vector<1x1250x128xf32> to vector<1250x128xf32>
    %get3A_18 = arith.constant 1 : index
    %get3A_19 = arith.constant 0 : index
    %get3A_20 = arith.constant 0 : index
    %get3A_21 = vector.load %arg0[%get3A_18, %get3A_19, %get3A_20] : memref<2x1280x128xf32, #tpu.memory_space<vmem>>, vector<1x1250x128xf32>
    %get3A_22 = vector.shape_cast %get3A_21 : vector<1x1250x128xf32> to vector<1250x128xf32>
    %add3A_23 = arith.addf %get3A_17, %get3A_22 : vector<1250x128xf32>
    %add3A_24 = arith.constant 1.000000e+00 : f32
    %add3A_25 = vector.broadcast %add3A_24 : f32 to vector<1250x128xf32>
    %add3A_26 = arith.addf %add3A_23, %add3A_25 : vector<1250x128xf32>
    %rsqrt3A = math.rsqrt %add3A_26 : vector<1250x128xf32>
    %mul3A = arith.mulf %add3A_12, %rsqrt3A : vector<1250x128xf32>
    %get3A_27 = arith.constant 0 : index
    %get3A_28 = arith.constant 0 : index
    %get3A_29 = vector.load %arg3[%get3A_27, %get3A_28] : memref<1x128xf32, #tpu.memory_space<vmem>>, vector<1x128xf32>
    %get3A_30 = vector.shape_cast %get3A_29 : vector<1x128xf32> to vector<128xf32>
    %broadcast_in_dim3A = vector.shape_cast %get3A_30 : vector<128xf32> to vector<1x128xf32>
    %add3A_31 = vector.broadcast %broadcast_in_dim3A : vector<1x128xf32> to vector<1250x128xf32>
    %add3A_32 = arith.addf %mul3A, %add3A_31 : vector<1250x128xf32>
    %swap3A = arith.constant 0 : index
    %swap3A_33 = arith.constant 0 : index
    %swap3A_34 = vector.load %arg4[%swap3A, %swap3A_33] : memref<1250x128xf32, #tpu.memory_space<vmem>>, vector<1250x128xf32>
    tpu.vector_store %arg4[%swap3A, %swap3A_33], %add3A_32 {strides = array<i32>} : memref<1250x128xf32, #tpu.memory_space<vmem>>, vector<1250x128xf32>,
    return
  }
}

</mosaic_0001>

<sc_bundles>
// kernel: kernel.12.cloned.1.call-start
scs
__scs_entry_jumppad:
0x0: {  	(pc) =	sbr.rel $0x88, $3  }
0x1: {  	(tag) =	ssettag $0x0;
	lr =	simm.s32 $0x1  }
0x2: {  	[smem:$0x3F9B] =	sst lr;
	_ =	strace $0xD0000000  }
0x3: {  	_ = 	snop  }
0x4: {  	_ = 	snop  }
0x5: {  	_ = 	snop  }
0x6: {  	_ = 	snop  }
0x7: {  	_ = 	snop  }
__scs_overlays_trampoline_lowered:
0x8: {  	[smem:$0x3FAA] =	sst s0  }
0x9: {  	[smem:$0x3FAB] =	sst s1  }
0xa: {  	[smem:$0x3FAC] =	sst s2  }
0xb: {  	[smem:$0x3FAD] =	sst s3  }
0xc: {  	[smem:$0x3FAE] =	sst s4  }
0xd: {  	[smem:$0x3FAF] =	sst s5  }
0xe: {  	[smem:$0x3FB0] =	sst s6  }
0xf: {  	[smem:$0x3FB1] =	sst s7  }
0x10: {  	[smem:$0x3FB2] =	sst s8  }
0x11: {  	[smem:$0x3FB3] =	sst s9;
	s0 =	simm.s32 @!p0 $0x0  }
0x12: {  	s1 =	sld [smem:$0x3F99];
	s0 =	simm.s32 @p0 $0x1  }
0x13: {  	[smem:$0x3FB4] =	sst s0;
	s0 =	simm.s32 @!p1 $0x0  }
0x14: {  	s2 =	sld [smem:$0x3F98];
	s0 =	simm.s32 @p1 $0x1  }
0x15: {  	[smem:$0x3FB5] =	sst s0;
	s0 =	simm.s32 @!p2 $0x0  }
0x16: {  	s3 =	sld [smem:$0x3FDB];
	s0 =	simm.s32 @p2 $0x1  }
0x17: {  	s4 =	simm.s32 $0x1BF5;
	[smem:$0x3FB7] =	sst s0  }
0x18: {  	s0 =	sld [smem:$0x3F9A];
	_ =	swait.ge [sflag:s4], $0x0  }
0x19: {  	s7 =	sld [smem:$0x3F9B]  }
0x1a: {  	s8 =	sadd.s32 $0xFFFFE003, lr  }
0x1b: {  	s9 =	sadd.s32 $0xFFFFFEF7, lr;
	s5 =	simm.s32 $0xFFFFFFFF;
	p2 =	slt.u32 s8, $0xFFFFF086  }
0x1c: {  	p1 =	slt.u32 s9, $0xF7A;
	s5 =	simm.s32 @!p2 $0x0  }
0x1d: {  	s5 =	simm.s32 @p1 $0x1;
	p0 =	seq.s32 s7, s2  }
0x1e: {  	s7 =	smul.u32 @!p0 $0xF7A, s2;
	p2 =	seq.s32 @!p0 s5, $0x0  }
0x1f: {  	s9 =	smul.u32 $0xF7A, s1;
	s8 =	simm.s32 @!p0 $0x1BF5;
	p2 =	por !p2, p0  }
0x20: {  	[sflag:s8] =	ssyncset.s32 @!p0 $0xFFFFF086;
	s6 =	sadd.s32 @!p0 s3, s7;
	s7 =	simm.s32 @!p0 $0x108  }
0x21: {  	s3 =	sadd.s32 s3, s9;
	s6 =	sadd.s32 @!p0 $0x88, s6;
	s7 =	simm.s32 @p2 $0x1082  }
0x22: {  	[simem:s7], [sflag:s8] =	dma.local @!p0 [hbm:s6], $0xF7A  }
0x23: {  	s9 =	sor.u32 $0xD0000000, s2;
	s6 =	simm.s32 $0x108;
	_ =	swait.ge @!p0 [sflag:s8], $0x0  }
0x24: {  	s3 =	sadd.s32 $0x88, s3;
	s6 =	simm.s32 @!p1 $0x1082;
	[sflag:s4] =	ssyncset.s32 $0xFFFFF086  }
0x25: {  	[simem:s6], [sflag:s4] =	dma.local [hbm:s3], $0xF7A  }
0x26: {  	[smem:$0x3F9B] =	sst s1;
	(tag) =	ssettag s2;
	_ =	strace s9  }
0x27: {  	s1 =	sld [smem:$0x3FAB]  }
0x28: {  	s2 =	sld [smem:$0x3FAC]  }
0x29: {  	s4 =	sld [smem:$0x3FAE]  }
0x2a: {  	p0 =	seq.s32 s5, $0x0;
	s5 =	sld [smem:$0x3FAF]  }
0x2b: {  	s6 =	sld [smem:$0x3FB0]  }
0x2c: {  	s7 =	sld [smem:$0x3FB1]  }
0x2d: {  	s3 =	simm.s32 $0x108;
	s8 =	sld [smem:$0x3FB2]  }
0x2e: {  	s3 =	simm.s32 @!p0 $0x1082;
	s9 =	sld [smem:$0x3FB3]  }
0x2f: {  	lr =	sadd.s32 s0, s3;
	s0 =	sld [smem:$0x3FAA]  }
0x30: {  	s3 =	sld [smem:$0x3FAD]  }
0x31: {  	[smem:$0x3FB6] =	sst s10  }
0x32: {  	s10 =	sld [smem:$0x3FB4];
	_ =	sdelay $0x3  }
0x33: {  	p0 =	seq.s32 s10, $0x1;
	s10 =	sld [smem:$0x3FB6];
	_ =	sdelay $0x3  }
0x34: {  	[smem:$0x3FB6] =	sst s10  }
0x35: {  	s10 =	sld [smem:$0x3FB5];
	_ =	sdelay $0x3  }
0x36: {  	p1 =	seq.s32 s10, $0x1;
	s10 =	sld [smem:$0x3FB6];
	_ =	sdelay $0x3  }
0x37: {  	[smem:$0x3FB6] =	sst s10  }
0x38: {  	s10 =	sld [smem:$0x3FB7]  }
0x39: {  	_ = 	snop;
	(pc) =	sbr.ind lr, $3  }
0x3a: {  	_ = 	snop  }
0x3b: {  	_ = 	snop  }
0x3c: {  	p2 =	seq.s32 s10, $0x1;
	s10 =	sld [smem:$0x3FB6]  }
0x3d: {  	_ =	shalt  }
0x3e: {  	_ =	shalt  }
0x3f: {  	_ =	shalt  }
0x40: {  	_ =	shalt  }
0x41: {  	_ =	shalt  }
0x42: {  	_ =	shalt  }
0x43: {  	_ =	shalt  }
0x44: {  	_ =	shalt  }
0x45: {  	_ =	shalt  }
0x46: {  	_ =	shalt  }
0x47: {  	_ =	shalt  }
0x48: {  	_ =	shalt  }
0x49: {  	_ =	shalt  }
0x4a: {  	_ =	shalt  }
0x4b: {  	_ =	shalt  }
0x4c: {  	_ =	shalt  }
0x4d: {  	_ =	shalt  }
0x4e: {  	_ =	shalt  }
0x4f: {  	_ =	shalt  }
0x50: {  	_ =	shalt  }
0x51: {  	_ =	shalt  }
0x52: {  	_ =	shalt  }
0x53: {  	_ =	shalt  }
0x54: {  	_ =	shalt  }
0x55: {  	_ =	shalt  }
0x56: {  	_ =	shalt  }
0x57: {  	_ =	shalt  }
0x58: {  	_ =	shalt  }
0x59: {  	_ =	shalt  }
0x5a: {  	_ =	shalt  }
0x5b: {  	_ =	shalt  }
0x5c: {  	_ =	shalt  }
0x5d: {  	_ =	shalt  }
0x5e: {  	_ =	shalt  }
0x5f: {  	_ =	shalt  }
0x60: {  	_ =	shalt  }
0x61: {  	_ =	shalt  }
0x62: {  	_ =	shalt  }
0x63: {  	_ =	shalt  }
0x64: {  	_ =	shalt  }
0x65: {  	_ =	shalt  }
0x66: {  	_ =	shalt  }
0x67: {  	_ =	shalt  }
0x68: {  	_ =	shalt  }
0x69: {  	_ =	shalt  }
0x6a: {  	_ =	shalt  }
0x6b: {  	_ =	shalt  }
0x6c: {  	_ =	shalt  }
0x6d: {  	_ =	shalt  }
0x6e: {  	_ =	shalt  }
0x6f: {  	_ =	shalt  }
0x70: {  	_ =	shalt  }
0x71: {  	_ =	shalt  }
0x72: {  	_ =	shalt  }
0x73: {  	_ =	shalt  }
0x74: {  	_ =	shalt  }
0x75: {  	_ =	shalt  }
0x76: {  	_ =	shalt  }
0x77: {  	_ =	shalt  }
0x78: {  	_ =	shalt  }
0x79: {  	_ =	shalt  }
0x7a: {  	_ =	shalt  }
0x7b: {  	_ =	shalt  }
0x7c: {  	_ =	shalt  }
0x7d: {  	_ =	shalt  }
0x7e: {  	_ =	shalt  }
0x7f: {  	_ =	shalt  }
0x80: {  	_ =	shalt  }
0x81: {  	_ =	shalt  }
0x82: {  	_ =	shalt  }
0x83: {  	_ =	shalt  }
0x84: {  	_ =	shalt  }
0x85: {  	_ =	shalt  }
0x86: {  	_ =	shalt  }
0x87: {  	_ =	shalt  }
.Lfunc_end0:
.L_simem_size_0:
called_computation.1_lowered:
.L_overlay_start_0:
0x88: {  	s2 =	sld [smem:$0x3FD9]  }
0x89: {  	s3 =	sld [smem:$0x3FFE];
	_ =	sdelay $0x1  }
0x8a: {  	s1 =	srdreg.scid  }
0x8b: {  	s0 =	sand.u32 $0x1, s1  }
0x8c: {  	s14 =	sshll.u32 s0, $0xA;
	s2 =	sadd.s32 s3, s2  }
0x8d: {  	s2 =	sadd.s32 s2, s14  }
0x8e: {  	[smem:$0x3FC2] =	sst s2  }
0x8f: {  	_ = 	snop  }
0x90: {  	s2 =	sld [smem:$0x3FD0];
	_ =	sdelay $0x2  }
0x91: {  	s15 =	simm.s32 $0xA;
	s4 =	simm.s32 $0x10  }
0x92: {  	[smem:s4], [sflag:s15] =	dma.local [hbm:s2], $0x1  }
0x93: {  	_ =	swait.eq [sflag:s15], $0x1  }
0x94: {  	[sflag:s15] =	ssyncset.done $0x0  }
0x95: {  	[sflag:s15] =	ssyncadd.s32 $0xFFFFFFFF  }
0x96: {  	s16 =	sld [smem:$0x10];
	(tm) =	ssettm $0x1  }
0x97: {  	s17 =	sld [smem:$0x3FFB];
	_ =	sdelay $0x3  }
0x98: {  	_ =	strace s17  }
0x99: {  	s3 =	sld [smem:$0x3FFC];
	_ =	sdelay $0x3  }
0x9a: {  	_ =	strace s3  }
0x9b: {  	s3 =	sld [smem:$0x3FFD];
	_ =	sdelay $0x3  }
0x9c: {  	_ =	strace s3  }
0x9d: {  	_ =	strace $0x8FFFFFFF  }
0x9e: {  	s18 =	sld [smem:$0x3FDB];
	_ =	sdelay $0x1  }
0x9f: {  	s19 =	simm.s32 $_scs_section_size  }
0xa0: {  	s5 =	simm.s32 $_size__tile_overlayer_lowered;
	s6 =	simm.s32 $_tile_overlayer_lowered  }
0xa1: {  	s22 =	simm.s32 $0x1BFF;
	s21 =	sshll.u32 s6, $0x1;
	s3 =	sadd.s32 s19, s18  }
0xa2: {  	s7 =	simm.s32 $0x0;
	s20 =	sshll.u32 s5, $0x1;
	s5 =	sadd.s32 s21, s3  }
0xa3: {  	[timem:s7], [sflag:s22] =	dma.local [hbm:s5], s20  }
0xa4: {  	_ =	swait.ge [sflag:s22], s20  }
0xa5: {  	s4 =	ssub.s32 $0x0, s20;
	[sflag:s22] =	ssyncset.done $0x0  }
0xa6: {  	[sflag:s22] =	ssyncadd.s32 s4;
	_ =	sdelay $0x1  }
0xa7: {  	s23 =	simm.s32 $0x1B8B  }
0xa8: {  	_ =	swait.ge [sflag:s23], $0x1  }
0xa9: {  	[sflag:s23] =	ssyncset.done $0x0  }
0xaa: {  	s25 =	simm.s32 $0x1B8E;
	s24 =	sld [smem:$0x3FFE];
	[sflag:s23] =	ssyncadd.s32 $0xFFFFFFFF  }
0xab: {  	s26 =	simm.s32 $execute0_lowered;
	[smem:$0x3FD2] =	sst s25  }
0xac: {  	s5 =	sshll.u32 s26, $0x1;
	_ =	strace $0x80000049;
	[dreg:$0x1] =	wrdreg $0xFFFFFFFF  }
0xad: {  	s28 =	simm.s32 $_size_execute0_lowered;
	s3 =	sadd.s32 s3, s5;
	[dreg:$0x0] =	wrdreg $0x0  }
0xae: {  	s5 =	sshll.u32 s28, $0x1;
	[dreg:$0x2] =	wrdreg s3  }
0xaf: {  	[dreg:$0x3] =	wrdreg s5  }
0xb0: {  	[dreg:$0x4] =	wrdreg $0xC0  }
0xb1: {  	_ =	task [dreg:s7], $0x5FFFF  }
0xb2: {  	[dreg:$0x1] =	wrdreg $0xFFFFFFFF  }
0xb3: {  	[dreg:$0x0] =	wrdreg $0x60  }
0xb4: {  	[dreg:$0x2] =	wrdreg s16  }
0xb5: {  	[dreg:$0x3] =	wrdreg s24  }
0xb6: {  	[dreg:$0x4] =	wrdreg $0x169400  }
0xb7: {  	[dreg:$0x5] =	wrdreg $0x141400  }
0xb8: {  	[dreg:$0x6] =	wrdreg $0x9  }
0xb9: {  	_ =	task.clear_ibuf [dreg:s7], $0x7FFFF;
	_ =	strace $0x90000049  }
0xba: {  	s29 =	simm.s32 $0x9;
	_ =	strace $0x8000004B  }
0xbb: {  	_ =	swait.ge [sflag:s29], $0x1  }
0xbc: {  	[sflag:s29] =	ssyncadd.s32 $0xFFFFFFFF  }
0xbd: {  	_ =	strace $0x9000004B  }
0xbe: {  	_ =	sfence  }
0xbf: {  	s30 =	sld [smem:$0x0];
	_ =	sdelay $0x2  }
0xc0: {  	s31 =	sshll.u32 s1, $0xD;
	s1 =	sshrl.u32 s1, $0x2  }
0xc1: {  	s3 =	sand.u32 $0x4000, s31;
	s1 =	sadd.s32 s1, s30  }
0xc2: {  	s0 =	sor.u32 s3, s0;
	s1 =	sshll.u32 s1, $0x11  }
0xc3: {  	s0 =	sor.u32 s1, s0  }
0xc4: {  	s0 =	sadd.s32 $0x8F2B, s0  }
0xc5: {  	[sflag:s0] =	ssyncadd.remote.s32 $0x1  }
0xc6: {  	_ =	sfence.sel $0xFFFF  }
0xc7: {  	[dreg:$0x0] =	wrdreg $0xFFFFFFFF;
	(pc) =	sbr.abs _section_cstart, $3  }
0xc8: {  	[dreg:$0x1] =	wrdreg $0xFFFFFFFF  }
0xc9: {  	_ =	task.clear_ibuf [dreg:s7], $0x2FFFF;
	_ =	strace $0x9FFFFFFF  }
0xca: {  	(tm) =	ssettm $0x7FFFFFFF  }
0xcb: {  	_ =	shalt  }
tec
execute0_lowered:
.L_overlay_start_1:
0x0: {  	(tag) =	ssettag $0x1  }
0x1: {  	s0 =	srdreg.scid;
	s1 =	rddreg [dreg:$0x0]  }
0x2: {  	s10 =	stileid.u32;
	s5 =	rddreg [dreg:$0x1];
	s4 =	simm.s32 $0x0  }
0x3: {  	s28 =	simm.s32 $0x1;
	s29 =	simm.s32 $0x1F40;
	s30 =	simm.s32 $0x4  }
0x4: {  	s31 =	simm.s32 $0x2;
	s0 =	sand.u32 $0x1, s0;
	s7 =	smul.u32 $0x2800, s10  }
0x5: {  	s2 =	sshll.u32 s10, $0x1;
	[smem:$0x7FF] =	sst s4;
	s9 =	smul.u32 $0x2710, s10  }
0x6: {  	s10 =	sshll.u32 s10, $0x6;
	s3 =	sor.u32 s0, s2;
	s2 =	rddreg [dreg:$0x2]  }
0x7: {  	s8 =	smul.u32 $0x28000, s0;
	s0 =	ssub.s32 $0x2, s0;
	s22 =	sor.u32 $0x1C08, s10  }
0x8: {  	s6 =	smul.u32 $0x2710, s3;
	s3 =	rddreg [dreg:$0x3];
	_ =	strace $0x8000004A  }
0x9: {  	s20 =	sshrl.u32 s0, $0x1;
	s21 =	sshrl.u32 s9, $0x3;
	s9 =	sadd.s32 s9, s2  }
0xa: {  	[dreg:$0x6] =	wrdreg s22;
	s22 =	simm.s32 $0x7D0;
	s8 =	sadd.s32 s7, s8  }
0xb: {  	s0 =	ssub.s32 s0, s20;
	s1 =	sadd.s32 s1, s21;
	s11 =	sadd.s32 s7, s3  }
0xc: {  	s20 =	sshrl.u32 s9, $0x3;
	s21 =	simm.s32 $0xFA0;
	s7 =	simm.s32 $0x7  }
0xd: {  	s6 =	sshrl.u32 s6, $0x3;
	s8 =	sshrl.u32 s8, $0x3;
	[dreg:$0x5] =	wrdreg s1  }
0xe: {  	s19 =	smax.u32 s0, $0x1;
	s1 =	simm.s32 $0x9C40;
	s0 =	simm.s32 $0x6  }
0xf: {  	s6 =	sadd.s32 s6, s5;
	s5 =	sadd.s32 s8, s5;
	s8 =	simm.s32 $0x0  }
0x10: {  	s23 =	sadd.s32 $0x2800, s6;
	s24 =	sadd.s32 $0xC440, s6;
	s25 =	sadd.s32 $0x28FA, s6  }
0x11: {  	s26 =	sadd.s32 $0xC53A, s6;
	s12 =	sadd.s32 $0x29F4, s6;
	s13 =	sadd.s32 $0xC634, s6  }
0x12: {  	s14 =	sadd.s32 $0x2AEE, s6;
	s15 =	sadd.s32 $0xC72E, s6;
	[dreg:$0x7] =	wrdreg s23  }
0x13: {  	s16 =	sadd.s32 $0x2BE8, s6;
	s17 =	sadd.s32 $0xC828, s6;
	[dreg:$0x8] =	wrdreg s24  }
0x14: {  	s18 =	sadd.s32 $0x16200, s5;
	s5 =	simm.s32 $0x5;
	[dreg:$0x9] =	wrdreg s25  }
0x15: {  	s6 =	simm.s32 $0x3;
	[dreg:$0xa] =	wrdreg s26;
	s23 =	simm.s32 $0x1770  }
0x16: {  	v0 =	vimm.f32 $0.0e+00;
	s24 =	simm.s32 $0x11940;
	s25 =	simm.s32 $0x9;
	s26 =	simm.s32 $0x8  }
.LBB2_1:
0x17: {  	s9 =	rddreg [dreg:$0x5]  }
0x18: {  	s10 =	rddreg [dreg:$0x6]  }
0x19: {  	[spmem:s20], [sflag:s10] =	dma.local [hbm:s9], $0x4E2  }
0x1a: {  	s9 =	rddreg [dreg:$0x7]  }
0x1b: {  	[tilespmem:s4], [sflag:$0x1] =	stream.linear.gather [hbm4b:s9+s4], $0x7D0, $0x38;
	[tilespmem:$0x19050] =	vst v63  }
0x1c: {  	s10 =	rddreg [dreg:$0x8]  }
0x1d: {  	[tilespmem:s21], [sflag:$0x1] =	stream.linear.gather [hbm4b:s10+s4], $0x7D0, $0x38;
	[tilespmem:$0x19050] =	vst v63  }
0x1e: {  	s10 =	rddreg [dreg:$0x9]  }
0x1f: {  	[tilespmem:s22], [sflag:$0x2] =	stream.linear.gather [hbm4b:s10+s4], $0x7D0, $0x38;
	[tilespmem:$0x19050] =	vst v63  }
0x20: {  	s10 =	rddreg [dreg:$0xa]  }
0x21: {  	[tilespmem:s23], [sflag:$0x2] =	stream.linear.gather [hbm4b:s10+s4], $0x7D0, $0x38;
	[tilespmem:$0x19050] =	vst v63  }
0x22: {  	s9 =	simm.s32 $0x40;
	s10 =	simm.s32 $0x0  }
.LBB2_2:
0x23: {  	p0 =	sne.s32 s9, $0x9FC0;
	[tilespmem:s10+$0x11940] =	vst v0;
	s10 =	smov.u32 s9;
	s9 =	sadd.s32 $0x40, s9  }
.Ltmp0:
0x24: {  	(pc) =	sbr.rel @p0 .LBB2_2-.Ltmp0, $2  }
0x25: {  	_ =	sdelay $0x2  }
0x26: {  	s10 =	sshra.s32 s10, $0x2  }
0x27: {  	[tilespmem:s10+$0x11940] =	vst v0  }
0x28: {  	[spmem:s11] =	stream.linear.scatter [tilespmem:s24], [sflag:$0x9], $0x2800, $0x38;
	[tilespmem:$0x19050] =	vst v63  }
0x29: {  	_ =	swait.ge [sflag:s25], $0x2800  }
0x2a: {  	[sflag:s25] =	ssyncset.done $0x0  }
0x2b: {  	[sflag:s25] =	ssyncadd.s32 $0xFFFFD800  }
0x2c: {  	_ =	swait.ge [sflag:s26], $0x4E2  }
0x2d: {  	[sflag:s26] =	ssyncset.done $0x0  }
0x2e: {  	[sflag:s26] =	ssyncadd.s32 $0xFFFFFB1E  }
0x2f: {  	[bflag:$0x0] =	sbarrier.arrive $0xFFFF  }
0x30: {  	_ =	swait.ge [sflag:s28], $0x7D0  }
0x31: {  	[sflag:s28] =	ssyncset.done $0x0  }
0x32: {  	[sflag:s28] =	ssyncadd.s32 $0xFFFFF830  }
0x33: {  	_ =	swait.ge [sflag:s28], $0x7D0  }
0x34: {  	[sflag:s28] =	ssyncset.done $0x0  }
0x35: {  	[sflag:s28] =	ssyncadd.s32 $0xFFFFF830  }
0x36: {  	[tilespmem:s29], [sflag:$0x4] =	stream.indirect.gather [spmem:s2], $0x10, s4, s22, $0xb8;
	[tilespmem:$0x19050] =	vst v63  }
0x37: {  	_ =	swait.ge [sflag:s30], $0x7D00  }
0x38: {  	[sflag:s30] =	ssyncset.done $0x0  }
0x39: {  	[sflag:s30] =	ssyncadd.s32 $0xFFFF8300  }
0x3a: {  	[spmem:s3] =	stream.indirect.scatter.add.f32 [tilespmem:s29], [sflag:$0x6], $0x10, s21, s22, $0xb8;
	[tilespmem:$0x19050] =	vst v63  }
0x3b: {  	_ =	swait.ge [sflag:s31], $0x7D0  }
0x3c: {  	[sflag:s31] =	ssyncset.done $0x0  }
0x3d: {  	[sflag:s31] =	ssyncadd.s32 $0xFFFFF830  }
0x3e: {  	_ =	swait.ge [sflag:s31], $0x7D0  }
0x3f: {  	[sflag:s31] =	ssyncset.done $0x0  }
0x40: {  	[sflag:s31] =	ssyncadd.s32 $0xFFFFF830  }
0x41: {  	[tilespmem:s1], [sflag:$0x5] =	stream.indirect.gather [spmem:s2], $0x10, s22, s22, $0xb8;
	[tilespmem:$0x19050] =	vst v63  }
0x42: {  	_ =	swait.ge [sflag:s0], $0x7D00  }
0x43: {  	[sflag:s0] =	ssyncset.done $0x0  }
0x44: {  	[sflag:s0] =	ssyncadd.s32 $0xFFFF8300  }
0x45: {  	[tilespmem:s4], [sflag:$0x3] =	stream.linear.gather [hbm4b:s12+s4], $0x7D0, $0x38;
	[tilespmem:$0x19050] =	vst v63  }
0x46: {  	_ = 	snop  }
0x47: {  	[tilespmem:s21], [sflag:$0x3] =	stream.linear.gather [hbm4b:s13+s4], $0x7D0, $0x38;
	[tilespmem:$0x19050] =	vst v63  }
0x48: {  	_ =	swait.ge [sflag:s5], $0x7D00  }
0x49: {  	[sflag:s5] =	ssyncset.done $0x0  }
0x4a: {  	[sflag:s5] =	ssyncadd.s32 $0xFFFF8300  }
0x4b: {  	[spmem:s3] =	stream.indirect.scatter.add.f32 [tilespmem:s1], [sflag:$0x7], $0x10, s23, s22, $0xb8;
	[tilespmem:$0x19050] =	vst v63  }
0x4c: {  	_ =	swait.ge [sflag:s6], $0x7D0  }
0x4d: {  	[sflag:s6] =	ssyncset.done $0x0  }
0x4e: {  	[sflag:s6] =	ssyncadd.s32 $0xFFFFF830  }
0x4f: {  	_ =	swait.ge [sflag:s6], $0x7D0  }
0x50: {  	[sflag:s6] =	ssyncset.done $0x0  }
0x51: {  	[sflag:s6] =	ssyncadd.s32 $0xFFFFF830  }
0x52: {  	[tilespmem:s29], [sflag:$0x4] =	stream.indirect.gather [spmem:s2], $0x10, s4, s22, $0xb8;
	[tilespmem:$0x19050] =	vst v63  }
0x53: {  	_ =	swait.ge [sflag:s7], $0x7D00  }
0x54: {  	[sflag:s7] =	ssyncset.done $0x0  }
0x55: {  	[sflag:s7] =	ssyncadd.s32 $0xFFFF8300  }
0x56: {  	[tilespmem:s22], [sflag:$0x1] =	stream.linear.gather [hbm4b:s14+s4], $0x7D0, $0x38;
	[tilespmem:$0x19050] =	vst v63  }
0x57: {  	_ = 	snop  }
0x58: {  	[tilespmem:s23], [sflag:$0x1] =	stream.linear.gather [hbm4b:s15+s4], $0x7D0, $0x38;
	[tilespmem:$0x19050] =	vst v63  }
0x59: {  	_ =	swait.ge [sflag:s30], $0x7D00  }
0x5a: {  	[sflag:s30] =	ssyncset.done $0x0  }
0x5b: {  	[sflag:s30] =	ssyncadd.s32 $0xFFFF8300  }
0x5c: {  	[spmem:s3] =	stream.indirect.scatter.add.f32 [tilespmem:s29], [sflag:$0x6], $0x10, s21, s22, $0xb8;
	[tilespmem:$0x19050] =	vst v63  }
0x5d: {  	_ =	swait.ge [sflag:s28], $0x7D0  }
0x5e: {  	[sflag:s28] =	ssyncset.done $0x0  }
0x5f: {  	[sflag:s28] =	ssyncadd.s32 $0xFFFFF830  }
0x60: {  	_ =	swait.ge [sflag:s28], $0x7D0  }
0x61: {  	[sflag:s28] =	ssyncset.done $0x0  }
0x62: {  	[sflag:s28] =	ssyncadd.s32 $0xFFFFF830  }
0x63: {  	[tilespmem:s1], [sflag:$0x5] =	stream.indirect.gather [spmem:s2], $0x10, s22, s22, $0xb8;
	[tilespmem:$0x19050] =	vst v63  }
0x64: {  	_ =	swait.ge [sflag:s0], $0x7D00  }
0x65: {  	[sflag:s0] =	ssyncset.done $0x0  }
0x66: {  	[sflag:s0] =	ssyncadd.s32 $0xFFFF8300  }
0x67: {  	[tilespmem:s4], [sflag:$0x2] =	stream.linear.gather [hbm4b:s16+s4], $0x7D0, $0x38;
	[tilespmem:$0x19050] =	vst v63  }
0x68: {  	_ = 	snop  }
0x69: {  	[tilespmem:s21], [sflag:$0x2] =	stream.linear.gather [hbm4b:s17+s4], $0x7D0, $0x38;
	[tilespmem:$0x19050] =	vst v63  }
0x6a: {  	_ =	swait.ge [sflag:s5], $0x7D00  }
0x6b: {  	[sflag:s5] =	ssyncset.done $0x0  }
0x6c: {  	[sflag:s5] =	ssyncadd.s32 $0xFFFF8300  }
0x6d: {  	[spmem:s3] =	stream.indirect.scatter.add.f32 [tilespmem:s1], [sflag:$0x7], $0x10, s23, s22, $0xb8;
	[tilespmem:$0x19050] =	vst v63  }
0x6e: {  	_ =	swait.ge [sflag:s31], $0x7D0  }
0x6f: {  	[sflag:s31] =	ssyncset.done $0x0  }
0x70: {  	[sflag:s31] =	ssyncadd.s32 $0xFFFFF830  }
0x71: {  	_ =	swait.ge [sflag:s31], $0x7D0  }
0x72: {  	[sflag:s31] =	ssyncset.done $0x0  }
0x73: {  	[sflag:s31] =	ssyncadd.s32 $0xFFFFF830  }
0x74: {  	[tilespmem:s29], [sflag:$0x4] =	stream.indirect.gather [spmem:s2], $0x10, s4, s22, $0xb8;
	[tilespmem:$0x19050] =	vst v63  }
0x75: {  	_ =	swait.ge [sflag:s30], $0x7D00  }
0x76: {  	[sflag:s30] =	ssyncset.done $0x0  }
0x77: {  	[sflag:s30] =	ssyncadd.s32 $0xFFFF8300  }
0x78: {  	[spmem:s3] =	stream.indirect.scatter.add.f32 [tilespmem:s29], [sflag:$0x6], $0x10, s21, s22, $0xb8;
	[tilespmem:$0x19050] =	vst v63  }
0x79: {  	_ =	swait.ge [sflag:s7], $0x7D00  }
0x7a: {  	[sflag:s7] =	ssyncset.done $0x0  }
0x7b: {  	[sflag:s7] =	ssyncadd.s32 $0xFFFF8300  }
0x7c: {  	_ =	swait.ge [sflag:s0], $0x7D00  }
0x7d: {  	[sflag:s0] =	ssyncset.done $0x0  }
0x7e: {  	[sflag:s0] =	ssyncadd.s32 $0xFFFF8300  }
0x7f: {  	[bflag:$0x0] =	sbarrier.arrive $0xFFFF  }
0x80: {  	[tilespmem:s24], [sflag:$0x9] =	stream.linear.gather [spmem:s11], $0x2800, $0x38;
	[tilespmem:$0x19050] =	vst v63  }
0x81: {  	s8 =	sadd.s32 $0x1, s8;
	_ =	swait.ge [sflag:s25], $0x2800  }
0x82: {  	p0 =	sne.s32 s8, s19;
	[sflag:s25] =	ssyncset.done $0x0  }
.Ltmp1:
0x83: {  	[sflag:s25] =	ssyncadd.s32 $0xFFFFD800;
	(pc) =	sbr.rel @p0 .LBB2_1-.Ltmp1, $4  }
0x84: {  	[hbm4b:s18+s4] =	stream.linear.scatter [tilespmem:s24], [sflag:$0x9], $0x2800, $0x38;
	[tilespmem:$0x19050] =	vst v63  }
0x85: {  	_ =	swait.ge [sflag:s25], $0x2800  }
0x86: {  	[sflag:s25] =	ssyncset.done $0x0  }
0x87: {  	[sflag:s25] =	ssyncadd.s32 $0xFFFFD800  }
0x88: {  	_ =	sfence.sel $0x180000  }
0x89: {  	[bflag:$0x0] =	sbarrier.arrive $0xFFFF  }
0x8a: {  	_ =	strace $0x9000004A  }
0x8b: {  	s0 =	stileid.u32;
	[bflag:$0x2] =	sbarrier.arrive $0xFFFF  }
0x8c: {  	p0 =	sne.s32 s0, $0x0;
	s0 =	rddreg [dreg:$0x4]  }
0x8d: {  	s0 =	sadd.s32 @!p0 $0x100000, s0  }
0x8e: {  	[sflag:s0] =	ssyncadd.tile.s32 @!p0 $0x1;
	_ =	shalt  }
.Lfunc_end2:
_tile_overlayer_lowered:
.L_overlay_start_2:
0x8f: {  	(tag) =	ssettag $0x2  }
0x90: {  	s0 =	rddreg [dreg:$0x0];
	s2 =	stileid.u32  }
0x91: {  	s1 =	rddreg [dreg:$0x1];
	p0 =	sne.s32 s2, $0x0  }
0x92: {  	s3 =	rddreg [dreg:$0x2];
	[bflag:$0x3] =	sbarrier.arrive $0xFFFF;
	s2 =	simm.s32 @!p0 $0x1C09  }
0x93: {  	[timem:s3], [sflag:s2] =	dma.local @!p0 [hbm:s0], s1  }
0x94: {  	s0 =	simm.s32 @!p0 $0x9  }
0x95: {  	_ =	swait.ge @!p0 [sflag:s0], s1  }
0x96: {  	s1 =	ssub.s32 @!p0 $0x0, s1;
	[sflag:s0] =	ssyncset.done @!p0 $0x0  }
0x97: {  	[sflag:s0] =	ssyncadd.s32 @!p0 s1  }
0x98: {  	[bflag:$0x3] =	sbarrier.arrive $0xFFFF  }
0x99: {  	_ =	shalt  }

// kernel: kernel.15.cloned.1.call-start
scs
__scs_entry_jumppad:
0x0: {  	(pc) =	sbr.rel $0x88, $3  }
0x1: {  	(tag) =	ssettag $0x0;
	lr =	simm.s32 $0x1  }
0x2: {  	[smem:$0x3F9B] =	sst lr;
	_ =	strace $0xD0000000  }
0x3: {  	_ = 	snop  }
0x4: {  	_ = 	snop  }
0x5: {  	_ = 	snop  }
0x6: {  	_ = 	snop  }
0x7: {  	_ = 	snop  }
__scs_overlays_trampoline_lowered:
0x8: {  	[smem:$0x3FAA] =	sst s0  }
0x9: {  	[smem:$0x3FAB] =	sst s1  }
0xa: {  	[smem:$0x3FAC] =	sst s2  }
0xb: {  	[smem:$0x3FAD] =	sst s3  }
0xc: {  	[smem:$0x3FAE] =	sst s4  }
0xd: {  	[smem:$0x3FAF] =	sst s5  }
0xe: {  	[smem:$0x3FB0] =	sst s6  }
0xf: {  	[smem:$0x3FB1] =	sst s7  }
0x10: {  	[smem:$0x3FB2] =	sst s8  }
0x11: {  	[smem:$0x3FB3] =	sst s9;
	s0 =	simm.s32 @!p0 $0x0  }
0x12: {  	s1 =	sld [smem:$0x3F99];
	s0 =	simm.s32 @p0 $0x1  }
0x13: {  	[smem:$0x3FB4] =	sst s0;
	s0 =	simm.s32 @!p1 $0x0  }
0x14: {  	s2 =	sld [smem:$0x3F98];
	s0 =	simm.s32 @p1 $0x1  }
0x15: {  	[smem:$0x3FB5] =	sst s0;
	s0 =	simm.s32 @!p2 $0x0  }
0x16: {  	s3 =	sld [smem:$0x3FDB];
	s0 =	simm.s32 @p2 $0x1  }
0x17: {  	s4 =	simm.s32 $0x1BF5;
	[smem:$0x3FB7] =	sst s0  }
0x18: {  	s0 =	sld [smem:$0x3F9A];
	_ =	swait.ge [sflag:s4], $0x0  }
0x19: {  	s7 =	sld [smem:$0x3F9B]  }
0x1a: {  	s8 =	sadd.s32 $0xFFFFE003, lr  }
0x1b: {  	s9 =	sadd.s32 $0xFFFFFEF7, lr;
	s5 =	simm.s32 $0xFFFFFFFF;
	p2 =	slt.u32 s8, $0xFFFFF086  }
0x1c: {  	p1 =	slt.u32 s9, $0xF7A;
	s5 =	simm.s32 @!p2 $0x0  }
0x1d: {  	s5 =	simm.s32 @p1 $0x1;
	p0 =	seq.s32 s7, s2  }
0x1e: {  	s7 =	smul.u32 @!p0 $0xF7A, s2;
	p2 =	seq.s32 @!p0 s5, $0x0  }
0x1f: {  	s9 =	smul.u32 $0xF7A, s1;
	s8 =	simm.s32 @!p0 $0x1BF5;
	p2 =	por !p2, p0  }
0x20: {  	[sflag:s8] =	ssyncset.s32 @!p0 $0xFFFFF086;
	s6 =	sadd.s32 @!p0 s3, s7;
	s7 =	simm.s32 @!p0 $0x108  }
0x21: {  	s3 =	sadd.s32 s3, s9;
	s6 =	sadd.s32 @!p0 $0x88, s6;
	s7 =	simm.s32 @p2 $0x1082  }
0x22: {  	[simem:s7], [sflag:s8] =	dma.local @!p0 [hbm:s6], $0xF7A  }
0x23: {  	s9 =	sor.u32 $0xD0000000, s2;
	s6 =	simm.s32 $0x108;
	_ =	swait.ge @!p0 [sflag:s8], $0x0  }
0x24: {  	s3 =	sadd.s32 $0x88, s3;
	s6 =	simm.s32 @!p1 $0x1082;
	[sflag:s4] =	ssyncset.s32 $0xFFFFF086  }
0x25: {  	[simem:s6], [sflag:s4] =	dma.local [hbm:s3], $0xF7A  }
0x26: {  	[smem:$0x3F9B] =	sst s1;
	(tag) =	ssettag s2;
	_ =	strace s9  }
0x27: {  	s1 =	sld [smem:$0x3FAB]  }
0x28: {  	s2 =	sld [smem:$0x3FAC]  }
0x29: {  	s4 =	sld [smem:$0x3FAE]  }
0x2a: {  	p0 =	seq.s32 s5, $0x0;
	s5 =	sld [smem:$0x3FAF]  }
0x2b: {  	s6 =	sld [smem:$0x3FB0]  }
0x2c: {  	s7 =	sld [smem:$0x3FB1]  }
0x2d: {  	s3 =	simm.s32 $0x108;
	s8 =	sld [smem:$0x3FB2]  }
0x2e: {  	s3 =	simm.s32 @!p0 $0x1082;
	s9 =	sld [smem:$0x3FB3]  }
0x2f: {  	lr =	sadd.s32 s0, s3;
	s0 =	sld [smem:$0x3FAA]  }
0x30: {  	s3 =	sld [smem:$0x3FAD]  }
0x31: {  	[smem:$0x3FB6] =	sst s10  }
0x32: {  	s10 =	sld [smem:$0x3FB4];
	_ =	sdelay $0x3  }
0x33: {  	p0 =	seq.s32 s10, $0x1;
	s10 =	sld [smem:$0x3FB6];
	_ =	sdelay $0x3  }
0x34: {  	[smem:$0x3FB6] =	sst s10  }
0x35: {  	s10 =	sld [smem:$0x3FB5];
	_ =	sdelay $0x3  }
0x36: {  	p1 =	seq.s32 s10, $0x1;
	s10 =	sld [smem:$0x3FB6];
	_ =	sdelay $0x3  }
0x37: {  	[smem:$0x3FB6] =	sst s10  }
0x38: {  	s10 =	sld [smem:$0x3FB7]  }
0x39: {  	_ = 	snop;
	(pc) =	sbr.ind lr, $3  }
0x3a: {  	_ = 	snop  }
0x3b: {  	_ = 	snop  }
0x3c: {  	p2 =	seq.s32 s10, $0x1;
	s10 =	sld [smem:$0x3FB6]  }
0x3d: {  	_ =	shalt  }
0x3e: {  	_ =	shalt  }
0x3f: {  	_ =	shalt  }
0x40: {  	_ =	shalt  }
0x41: {  	_ =	shalt  }
0x42: {  	_ =	shalt  }
0x43: {  	_ =	shalt  }
0x44: {  	_ =	shalt  }
0x45: {  	_ =	shalt  }
0x46: {  	_ =	shalt  }
0x47: {  	_ =	shalt  }
0x48: {  	_ =	shalt  }
0x49: {  	_ =	shalt  }
0x4a: {  	_ =	shalt  }
0x4b: {  	_ =	shalt  }
0x4c: {  	_ =	shalt  }
0x4d: {  	_ =	shalt  }
0x4e: {  	_ =	shalt  }
0x4f: {  	_ =	shalt  }
0x50: {  	_ =	shalt  }
0x51: {  	_ =	shalt  }
0x52: {  	_ =	shalt  }
0x53: {  	_ =	shalt  }
0x54: {  	_ =	shalt  }
0x55: {  	_ =	shalt  }
0x56: {  	_ =	shalt  }
0x57: {  	_ =	shalt  }
0x58: {  	_ =	shalt  }
0x59: {  	_ =	shalt  }
0x5a: {  	_ =	shalt  }
0x5b: {  	_ =	shalt  }
0x5c: {  	_ =	shalt  }
0x5d: {  	_ =	shalt  }
0x5e: {  	_ =	shalt  }
0x5f: {  	_ =	shalt  }
0x60: {  	_ =	shalt  }
0x61: {  	_ =	shalt  }
0x62: {  	_ =	shalt  }
0x63: {  	_ =	shalt  }
0x64: {  	_ =	shalt  }
0x65: {  	_ =	shalt  }
0x66: {  	_ =	shalt  }
0x67: {  	_ =	shalt  }
0x68: {  	_ =	shalt  }
0x69: {  	_ =	shalt  }
0x6a: {  	_ =	shalt  }
0x6b: {  	_ =	shalt  }
0x6c: {  	_ =	shalt  }
0x6d: {  	_ =	shalt  }
0x6e: {  	_ =	shalt  }
0x6f: {  	_ =	shalt  }
0x70: {  	_ =	shalt  }
0x71: {  	_ =	shalt  }
0x72: {  	_ =	shalt  }
0x73: {  	_ =	shalt  }
0x74: {  	_ =	shalt  }
0x75: {  	_ =	shalt  }
0x76: {  	_ =	shalt  }
0x77: {  	_ =	shalt  }
0x78: {  	_ =	shalt  }
0x79: {  	_ =	shalt  }
0x7a: {  	_ =	shalt  }
0x7b: {  	_ =	shalt  }
0x7c: {  	_ =	shalt  }
0x7d: {  	_ =	shalt  }
0x7e: {  	_ =	shalt  }
0x7f: {  	_ =	shalt  }
0x80: {  	_ =	shalt  }
0x81: {  	_ =	shalt  }
0x82: {  	_ =	shalt  }
0x83: {  	_ =	shalt  }
0x84: {  	_ =	shalt  }
0x85: {  	_ =	shalt  }
0x86: {  	_ =	shalt  }
0x87: {  	_ =	shalt  }
.Lfunc_end0:
.L_simem_size_0:
called_computation.2_lowered:
.L_overlay_start_0:
0x88: {  	s2 =	sld [smem:$0x3FD9]  }
0x89: {  	s3 =	sld [smem:$0x3FFE];
	_ =	sdelay $0x1  }
0x8a: {  	s1 =	srdreg.scid  }
0x8b: {  	s0 =	sand.u32 $0x1, s1  }
0x8c: {  	s16 =	sshll.u32 s0, $0xA;
	s2 =	sadd.s32 s3, s2  }
0x8d: {  	s2 =	sadd.s32 s2, s16  }
0x8e: {  	[smem:$0x3FC2] =	sst s2  }
0x8f: {  	_ = 	snop  }
0x90: {  	(tm) =	ssettm $0x1  }
0x91: {  	s17 =	sld [smem:$0x3FFB];
	_ =	sdelay $0x3  }
0x92: {  	_ =	strace s17  }
0x93: {  	s2 =	sld [smem:$0x3FFC];
	_ =	sdelay $0x3  }
0x94: {  	_ =	strace s2  }
0x95: {  	s2 =	sld [smem:$0x3FFD];
	_ =	sdelay $0x3  }
0x96: {  	_ =	strace s2  }
0x97: {  	_ =	strace $0x8FFFFFFF  }
0x98: {  	s18 =	sld [smem:$0x3FDB];
	_ =	sdelay $0x1  }
0x99: {  	s19 =	simm.s32 $_scs_section_size  }
0x9a: {  	s4 =	simm.s32 $_size__tile_overlayer_lowered;
	s5 =	simm.s32 $_tile_overlayer_lowered  }
0x9b: {  	s22 =	simm.s32 $0x1BFF;
	s21 =	sshll.u32 s5, $0x1;
	s2 =	sadd.s32 s19, s18  }
0x9c: {  	s6 =	simm.s32 $0x0;
	s20 =	sshll.u32 s4, $0x1;
	s4 =	sadd.s32 s21, s2  }
0x9d: {  	[timem:s6], [sflag:s22] =	dma.local [hbm:s4], s20  }
0x9e: {  	_ =	swait.ge [sflag:s22], s20  }
0x9f: {  	s3 =	ssub.s32 $0x0, s20;
	[sflag:s22] =	ssyncset.done $0x0  }
0xa0: {  	[sflag:s22] =	ssyncadd.s32 s3;
	_ =	sdelay $0x1  }
0xa1: {  	s23 =	simm.s32 $0x1B8B  }
0xa2: {  	_ =	swait.ge [sflag:s23], $0x1  }
0xa3: {  	[sflag:s23] =	ssyncset.done $0x0  }
0xa4: {  	s25 =	simm.s32 $0x1B8E;
	s24 =	sld [smem:$0x3FFE];
	[sflag:s23] =	ssyncadd.s32 $0xFFFFFFFF  }
0xa5: {  	s26 =	simm.s32 $execute0_lowered;
	[smem:$0x3FD2] =	sst s25  }
0xa6: {  	s4 =	sshll.u32 s26, $0x1;
	_ =	strace $0x8000004C;
	[dreg:$0x1] =	wrdreg $0xFFFFFFFF  }
0xa7: {  	s28 =	simm.s32 $_size_execute0_lowered;
	s2 =	sadd.s32 s2, s4;
	[dreg:$0x0] =	wrdreg $0x0  }
0xa8: {  	s4 =	sshll.u32 s28, $0x1;
	[dreg:$0x2] =	wrdreg s2  }
0xa9: {  	[dreg:$0x3] =	wrdreg s4  }
0xaa: {  	[dreg:$0x4] =	wrdreg $0xC0  }
0xab: {  	_ =	task [dreg:s6], $0x5FFFF  }
0xac: {  	[dreg:$0x1] =	wrdreg $0xFFFFFFFF  }
0xad: {  	[dreg:$0x0] =	wrdreg $0x60  }
0xae: {  	[dreg:$0x2] =	wrdreg s24  }
0xaf: {  	[dreg:$0x3] =	wrdreg $0x169400  }
0xb0: {  	[dreg:$0x4] =	wrdreg $0x141400  }
0xb1: {  	[dreg:$0x5] =	wrdreg $0x9  }
0xb2: {  	_ =	task.clear_ibuf [dreg:s6], $0x6FFFF;
	_ =	strace $0x9000004C  }
0xb3: {  	s29 =	simm.s32 $0x9;
	_ =	strace $0x8000004E  }
0xb4: {  	_ =	swait.ge [sflag:s29], $0x1  }
0xb5: {  	[sflag:s29] =	ssyncadd.s32 $0xFFFFFFFF  }
0xb6: {  	_ =	strace $0x9000004E  }
0xb7: {  	_ =	sfence  }
0xb8: {  	s30 =	sld [smem:$0x0];
	_ =	sdelay $0x2  }
0xb9: {  	s31 =	sshll.u32 s1, $0xD;
	s1 =	sshrl.u32 s1, $0x2  }
0xba: {  	s3 =	sand.u32 $0x4000, s31;
	s1 =	sadd.s32 s1, s30  }
0xbb: {  	s0 =	sor.u32 s3, s0;
	s1 =	sshll.u32 s1, $0x11  }
0xbc: {  	s0 =	sor.u32 s1, s0  }
0xbd: {  	s0 =	sadd.s32 $0x8F2B, s0  }
0xbe: {  	[sflag:s0] =	ssyncadd.remote.s32 $0x1  }
0xbf: {  	_ =	sfence.sel $0xFFFF  }
0xc0: {  	[dreg:$0x0] =	wrdreg $0xFFFFFFFF;
	(pc) =	sbr.abs _section_cstart, $3  }
0xc1: {  	[dreg:$0x1] =	wrdreg $0xFFFFFFFF  }
0xc2: {  	_ =	task.clear_ibuf [dreg:s6], $0x2FFFF;
	_ =	strace $0x9FFFFFFF  }
0xc3: {  	(tm) =	ssettm $0x7FFFFFFF  }
tec
execute0_lowered:
.L_overlay_start_1:
0x0: {  	(tag) =	ssettag $0x1  }
0x1: {  	s11 =	stileid.u32;
	s1 =	rddreg [dreg:$0x0]  }
0x2: {  	s0 =	srdreg.scid;
	s2 =	rddreg [dreg:$0x1];
	s28 =	simm.s32 $0x1  }
0x3: {  	s29 =	simm.s32 $0x1F40;
	s30 =	simm.s32 $0x4;
	s31 =	simm.s32 $0x2  }
0x4: {  	s0 =	sand.u32 $0x1, s0;
	s3 =	sshll.u32 s11, $0x1;
	s5 =	smul.u32 $0x2710, s11  }
0x5: {  	s7 =	smul.u32 $0x2800, s11;
	s21 =	sshll.u32 s11, $0x6;
	s4 =	sor.u32 s0, s3  }
0x6: {  	s3 =	rddreg [dreg:$0x2];
	s9 =	smul.u32 $0x28000, s0;
	s0 =	ssub.s32 $0x2, s0  }
0x7: {  	s22 =	sor.u32 $0x1C08, s21;
	s21 =	simm.s32 $0xFA0;
	s6 =	smul.u32 $0x2710, s4  }
0x8: {  	s4 =	simm.s32 $0x0;
	s8 =	sshrl.u32 s5, $0x3;
	s10 =	sshrl.u32 s0, $0x1  }
0x9: {  	s5 =	sadd.s32 s5, s2;
	s11 =	sadd.s32 s7, s3;
	[smem:$0x7FF] =	sst s4  }
0xa: {  	s8 =	sadd.s32 s8, s1;
	s9 =	sadd.s32 s7, s9;
	s0 =	ssub.s32 s0, s10  }
0xb: {  	s20 =	sshrl.u32 s5, $0x3;
	s5 =	simm.s32 $0x5;
	s7 =	simm.s32 $0x7  }
0xc: {  	_ =	strace $0x8000004D;
	s6 =	sshrl.u32 s6, $0x3;
	s9 =	sshrl.u32 s9, $0x3  }
0xd: {  	s8 =	sadd.s32 $0x16200, s8;
	[dreg:$0x5] =	wrdreg s22;
	s19 =	smax.u32 s0, $0x1  }
0xe: {  	s22 =	simm.s32 $0x7D0;
	s0 =	simm.s32 $0x6;
	s6 =	sadd.s32 s6, s1  }
0xf: {  	s1 =	sadd.s32 s9, s1;
	[dreg:$0x4] =	wrdreg s8;
	s8 =	simm.s32 $0x0  }
0x10: {  	s23 =	sadd.s32 $0x2800, s6;
	s24 =	sadd.s32 $0xC440, s6;
	s25 =	sadd.s32 $0x28FA, s6  }
0x11: {  	s26 =	sadd.s32 $0xC53A, s6;
	s12 =	sadd.s32 $0x29F4, s6;
	s13 =	sadd.s32 $0xC634, s6  }
0x12: {  	s14 =	sadd.s32 $0x2AEE, s6;
	s15 =	sadd.s32 $0xC72E, s6;
	[dreg:$0x6] =	wrdreg s23  }
0x13: {  	s16 =	sadd.s32 $0x2BE8, s6;
	s17 =	sadd.s32 $0xC828, s6;
	[dreg:$0x7] =	wrdreg s24  }
0x14: {  	s18 =	sadd.s32 $0x1B200, s1;
	s1 =	simm.s32 $0x9C40;
	[dreg:$0x8] =	wrdreg s25  }
0x15: {  	s6 =	simm.s32 $0x3;
	[dreg:$0x9] =	wrdreg s26;
	s23 =	simm.s32 $0x1770  }
0x16: {  	v0 =	vimm.f32 $0.0e+00;
	s24 =	simm.s32 $0x11940;
	s25 =	simm.s32 $0x9;
	s26 =	simm.s32 $0x8  }
.LBB2_1:
0x17: {  	s9 =	rddreg [dreg:$0x4]  }
0x18: {  	s10 =	rddreg [dreg:$0x5]  }
0x19: {  	[spmem:s20], [sflag:s10] =	dma.local [hbm:s9], $0x4E2  }
0x1a: {  	s9 =	rddreg [dreg:$0x6]  }
0x1b: {  	[tilespmem:s4], [sflag:$0x1] =	stream.linear.gather [hbm4b:s9+s4], $0x7D0, $0x38;
	[tilespmem:$0x19050] =	vst v63  }
0x1c: {  	s10 =	rddreg [dreg:$0x7]  }
0x1d: {  	[tilespmem:s21], [sflag:$0x1] =	stream.linear.gather [hbm4b:s10+s4], $0x7D0, $0x38;
	[tilespmem:$0x19050] =	vst v63  }
0x1e: {  	s10 =	rddreg [dreg:$0x8]  }
0x1f: {  	[tilespmem:s22], [sflag:$0x2] =	stream.linear.gather [hbm4b:s10+s4], $0x7D0, $0x38;
	[tilespmem:$0x19050] =	vst v63  }
0x20: {  	s10 =	rddreg [dreg:$0x9]  }
0x21: {  	[tilespmem:s23], [sflag:$0x2] =	stream.linear.gather [hbm4b:s10+s4], $0x7D0, $0x38;
	[tilespmem:$0x19050] =	vst v63  }
0x22: {  	s9 =	simm.s32 $0x40;
	s10 =	simm.s32 $0x0  }
.LBB2_2:
0x23: {  	p0 =	sne.s32 s9, $0x9FC0;
	[tilespmem:s10+$0x11940] =	vst v0;
	s10 =	smov.u32 s9;
	s9 =	sadd.s32 $0x40, s9  }
.Ltmp0:
0x24: {  	(pc) =	sbr.rel @p0 .LBB2_2-.Ltmp0, $2  }
0x25: {  	_ =	sdelay $0x2  }
0x26: {  	s10 =	sshra.s32 s10, $0x2  }
0x27: {  	[tilespmem:s10+$0x11940] =	vst v0  }
0x28: {  	[spmem:s11] =	stream.linear.scatter [tilespmem:s24], [sflag:$0x9], $0x2800, $0x38;
	[tilespmem:$0x19050] =	vst v63  }
0x29: {  	_ =	swait.ge [sflag:s25], $0x2800  }
0x2a: {  	[sflag:s25] =	ssyncset.done $0x0  }
0x2b: {  	[sflag:s25] =	ssyncadd.s32 $0xFFFFD800  }
0x2c: {  	_ =	swait.ge [sflag:s26], $0x4E2  }
0x2d: {  	[sflag:s26] =	ssyncset.done $0x0  }
0x2e: {  	[sflag:s26] =	ssyncadd.s32 $0xFFFFFB1E  }
0x2f: {  	[bflag:$0x0] =	sbarrier.arrive $0xFFFF  }
0x30: {  	_ =	swait.ge [sflag:s28], $0x7D0  }
0x31: {  	[sflag:s28] =	ssyncset.done $0x0  }
0x32: {  	[sflag:s28] =	ssyncadd.s32 $0xFFFFF830  }
0x33: {  	_ =	swait.ge [sflag:s28], $0x7D0  }
0x34: {  	[sflag:s28] =	ssyncset.done $0x0  }
0x35: {  	[sflag:s28] =	ssyncadd.s32 $0xFFFFF830  }
0x36: {  	[tilespmem:s29], [sflag:$0x4] =	stream.indirect.gather [spmem:s2], $0x10, s4, s22, $0xb8;
	[tilespmem:$0x19050] =	vst v63  }
0x37: {  	_ =	swait.ge [sflag:s30], $0x7D00  }
0x38: {  	[sflag:s30] =	ssyncset.done $0x0  }
0x39: {  	[sflag:s30] =	ssyncadd.s32 $0xFFFF8300  }
0x3a: {  	[spmem:s3] =	stream.indirect.scatter.add.f32 [tilespmem:s29], [sflag:$0x6], $0x10, s21, s22, $0xb8;
	[tilespmem:$0x19050] =	vst v63  }
0x3b: {  	_ =	swait.ge [sflag:s31], $0x7D0  }
0x3c: {  	[sflag:s31] =	ssyncset.done $0x0  }
0x3d: {  	[sflag:s31] =	ssyncadd.s32 $0xFFFFF830  }
0x3e: {  	_ =	swait.ge [sflag:s31], $0x7D0  }
0x3f: {  	[sflag:s31] =	ssyncset.done $0x0  }
0x40: {  	[sflag:s31] =	ssyncadd.s32 $0xFFFFF830  }
0x41: {  	[tilespmem:s1], [sflag:$0x5] =	stream.indirect.gather [spmem:s2], $0x10, s22, s22, $0xb8;
	[tilespmem:$0x19050] =	vst v63  }
0x42: {  	_ =	swait.ge [sflag:s0], $0x7D00  }
0x43: {  	[sflag:s0] =	ssyncset.done $0x0  }
0x44: {  	[sflag:s0] =	ssyncadd.s32 $0xFFFF8300  }
0x45: {  	[tilespmem:s4], [sflag:$0x3] =	stream.linear.gather [hbm4b:s12+s4], $0x7D0, $0x38;
	[tilespmem:$0x19050] =	vst v63  }
0x46: {  	_ = 	snop  }
0x47: {  	[tilespmem:s21], [sflag:$0x3] =	stream.linear.gather [hbm4b:s13+s4], $0x7D0, $0x38;
	[tilespmem:$0x19050] =	vst v63  }
0x48: {  	_ =	swait.ge [sflag:s5], $0x7D00  }
0x49: {  	[sflag:s5] =	ssyncset.done $0x0  }
0x4a: {  	[sflag:s5] =	ssyncadd.s32 $0xFFFF8300  }
0x4b: {  	[spmem:s3] =	stream.indirect.scatter.add.f32 [tilespmem:s1], [sflag:$0x7], $0x10, s23, s22, $0xb8;
	[tilespmem:$0x19050] =	vst v63  }
0x4c: {  	_ =	swait.ge [sflag:s6], $0x7D0  }
0x4d: {  	[sflag:s6] =	ssyncset.done $0x0  }
0x4e: {  	[sflag:s6] =	ssyncadd.s32 $0xFFFFF830  }
0x4f: {  	_ =	swait.ge [sflag:s6], $0x7D0  }
0x50: {  	[sflag:s6] =	ssyncset.done $0x0  }
0x51: {  	[sflag:s6] =	ssyncadd.s32 $0xFFFFF830  }
0x52: {  	[tilespmem:s29], [sflag:$0x4] =	stream.indirect.gather [spmem:s2], $0x10, s4, s22, $0xb8;
	[tilespmem:$0x19050] =	vst v63  }
0x53: {  	_ =	swait.ge [sflag:s7], $0x7D00  }
0x54: {  	[sflag:s7] =	ssyncset.done $0x0  }
0x55: {  	[sflag:s7] =	ssyncadd.s32 $0xFFFF8300  }
0x56: {  	[tilespmem:s22], [sflag:$0x1] =	stream.linear.gather [hbm4b:s14+s4], $0x7D0, $0x38;
	[tilespmem:$0x19050] =	vst v63  }
0x57: {  	_ = 	snop  }
0x58: {  	[tilespmem:s23], [sflag:$0x1] =	stream.linear.gather [hbm4b:s15+s4], $0x7D0, $0x38;
	[tilespmem:$0x19050] =	vst v63  }
0x59: {  	_ =	swait.ge [sflag:s30], $0x7D00  }
0x5a: {  	[sflag:s30] =	ssyncset.done $0x0  }
0x5b: {  	[sflag:s30] =	ssyncadd.s32 $0xFFFF8300  }
0x5c: {  	[spmem:s3] =	stream.indirect.scatter.add.f32 [tilespmem:s29], [sflag:$0x6], $0x10, s21, s22, $0xb8;
	[tilespmem:$0x19050] =	vst v63  }
0x5d: {  	_ =	swait.ge [sflag:s28], $0x7D0  }
0x5e: {  	[sflag:s28] =	ssyncset.done $0x0  }
0x5f: {  	[sflag:s28] =	ssyncadd.s32 $0xFFFFF830  }
0x60: {  	_ =	swait.ge [sflag:s28], $0x7D0  }
0x61: {  	[sflag:s28] =	ssyncset.done $0x0  }
0x62: {  	[sflag:s28] =	ssyncadd.s32 $0xFFFFF830  }
0x63: {  	[tilespmem:s1], [sflag:$0x5] =	stream.indirect.gather [spmem:s2], $0x10, s22, s22, $0xb8;
	[tilespmem:$0x19050] =	vst v63  }
0x64: {  	_ =	swait.ge [sflag:s0], $0x7D00  }
0x65: {  	[sflag:s0] =	ssyncset.done $0x0  }
0x66: {  	[sflag:s0] =	ssyncadd.s32 $0xFFFF8300  }
0x67: {  	[tilespmem:s4], [sflag:$0x2] =	stream.linear.gather [hbm4b:s16+s4], $0x7D0, $0x38;
	[tilespmem:$0x19050] =	vst v63  }
0x68: {  	_ = 	snop  }
0x69: {  	[tilespmem:s21], [sflag:$0x2] =	stream.linear.gather [hbm4b:s17+s4], $0x7D0, $0x38;
	[tilespmem:$0x19050] =	vst v63  }
0x6a: {  	_ =	swait.ge [sflag:s5], $0x7D00  }
0x6b: {  	[sflag:s5] =	ssyncset.done $0x0  }
0x6c: {  	[sflag:s5] =	ssyncadd.s32 $0xFFFF8300  }
0x6d: {  	[spmem:s3] =	stream.indirect.scatter.add.f32 [tilespmem:s1], [sflag:$0x7], $0x10, s23, s22, $0xb8;
	[tilespmem:$0x19050] =	vst v63  }
0x6e: {  	_ =	swait.ge [sflag:s31], $0x7D0  }
0x6f: {  	[sflag:s31] =	ssyncset.done $0x0  }
0x70: {  	[sflag:s31] =	ssyncadd.s32 $0xFFFFF830  }
0x71: {  	_ =	swait.ge [sflag:s31], $0x7D0  }
0x72: {  	[sflag:s31] =	ssyncset.done $0x0  }
0x73: {  	[sflag:s31] =	ssyncadd.s32 $0xFFFFF830  }
0x74: {  	[tilespmem:s29], [sflag:$0x4] =	stream.indirect.gather [spmem:s2], $0x10, s4, s22, $0xb8;
	[tilespmem:$0x19050] =	vst v63  }
0x75: {  	_ =	swait.ge [sflag:s30], $0x7D00  }
0x76: {  	[sflag:s30] =	ssyncset.done $0x0  }
0x77: {  	[sflag:s30] =	ssyncadd.s32 $0xFFFF8300  }
0x78: {  	[spmem:s3] =	stream.indirect.scatter.add.f32 [tilespmem:s29], [sflag:$0x6], $0x10, s21, s22, $0xb8;
	[tilespmem:$0x19050] =	vst v63  }
0x79: {  	_ =	swait.ge [sflag:s7], $0x7D00  }
0x7a: {  	[sflag:s7] =	ssyncset.done $0x0  }
0x7b: {  	[sflag:s7] =	ssyncadd.s32 $0xFFFF8300  }
0x7c: {  	_ =	swait.ge [sflag:s0], $0x7D00  }
0x7d: {  	[sflag:s0] =	ssyncset.done $0x0  }
0x7e: {  	[sflag:s0] =	ssyncadd.s32 $0xFFFF8300  }
0x7f: {  	[bflag:$0x0] =	sbarrier.arrive $0xFFFF  }
0x80: {  	[tilespmem:s24], [sflag:$0x9] =	stream.linear.gather [spmem:s11], $0x2800, $0x38;
	[tilespmem:$0x19050] =	vst v63  }
0x81: {  	s8 =	sadd.s32 $0x1, s8;
	_ =	swait.ge [sflag:s25], $0x2800  }
0x82: {  	p0 =	sne.s32 s8, s19;
	[sflag:s25] =	ssyncset.done $0x0  }
.Ltmp1:
0x83: {  	[sflag:s25] =	ssyncadd.s32 $0xFFFFD800;
	(pc) =	sbr.rel @p0 .LBB2_1-.Ltmp1, $4  }
0x84: {  	[hbm4b:s18+s4] =	stream.linear.scatter [tilespmem:s24], [sflag:$0x9], $0x2800, $0x38;
	[tilespmem:$0x19050] =	vst v63  }
0x85: {  	_ =	swait.ge [sflag:s25], $0x2800  }
0x86: {  	[sflag:s25] =	ssyncset.done $0x0  }
0x87: {  	[sflag:s25] =	ssyncadd.s32 $0xFFFFD800  }
0x88: {  	_ =	sfence.sel $0x180000  }
0x89: {  	[bflag:$0x0] =	sbarrier.arrive $0xFFFF  }
0x8a: {  	_ =	strace $0x9000004D  }
0x8b: {  	s0 =	stileid.u32;
	[bflag:$0x2] =	sbarrier.arrive $0xFFFF  }
0x8c: {  	p0 =	sne.s32 s0, $0x0;
	s0 =	rddreg [dreg:$0x3]  }
0x8d: {  	s0 =	sadd.s32 @!p0 $0x100000, s0  }
0x8e: {  	[sflag:s0] =	ssyncadd.tile.s32 @!p0 $0x1;
	_ =	shalt  }
.Lfunc_end2:
_tile_overlayer_lowered:
.L_overlay_start_2:
0x8f: {  	(tag) =	ssettag $0x2  }
0x90: {  	s0 =	rddreg [dreg:$0x0];
	s2 =	stileid.u32  }
0x91: {  	s1 =	rddreg [dreg:$0x1];
	p0 =	sne.s32 s2, $0x0  }
0x92: {  	s3 =	rddreg [dreg:$0x2];
	[bflag:$0x3] =	sbarrier.arrive $0xFFFF;
	s2 =	simm.s32 @!p0 $0x1C09  }
0x93: {  	[timem:s3], [sflag:s2] =	dma.local @!p0 [hbm:s0], s1  }
0x94: {  	s0 =	simm.s32 @!p0 $0x9  }
0x95: {  	_ =	swait.ge @!p0 [sflag:s0], s1  }
0x96: {  	s1 =	ssub.s32 @!p0 $0x0, s1;
	[sflag:s0] =	ssyncset.done @!p0 $0x0  }
0x97: {  	[sflag:s0] =	ssyncadd.s32 @!p0 s1  }
0x98: {  	[bflag:$0x3] =	sbarrier.arrive $0xFFFF  }
0x99: {  	_ =	shalt  }

// kernel: kernel.9.cloned.1.call-start
scs
__scs_entry_jumppad:
0x0: {  	(pc) =	sbr.rel $0x88, $3  }
0x1: {  	(tag) =	ssettag $0x0;
	lr =	simm.s32 $0x1  }
0x2: {  	[smem:$0x3F9B] =	sst lr;
	_ =	strace $0xD0000000  }
0x3: {  	_ = 	snop  }
0x4: {  	_ = 	snop  }
0x5: {  	_ = 	snop  }
0x6: {  	_ = 	snop  }
0x7: {  	_ = 	snop  }
__scs_overlays_trampoline_lowered:
0x8: {  	[smem:$0x3FAA] =	sst s0  }
0x9: {  	[smem:$0x3FAB] =	sst s1  }
0xa: {  	[smem:$0x3FAC] =	sst s2  }
0xb: {  	[smem:$0x3FAD] =	sst s3  }
0xc: {  	[smem:$0x3FAE] =	sst s4  }
0xd: {  	[smem:$0x3FAF] =	sst s5  }
0xe: {  	[smem:$0x3FB0] =	sst s6  }
0xf: {  	[smem:$0x3FB1] =	sst s7  }
0x10: {  	[smem:$0x3FB2] =	sst s8  }
0x11: {  	[smem:$0x3FB3] =	sst s9;
	s0 =	simm.s32 @!p0 $0x0  }
0x12: {  	s1 =	sld [smem:$0x3F99];
	s0 =	simm.s32 @p0 $0x1  }
0x13: {  	[smem:$0x3FB4] =	sst s0;
	s0 =	simm.s32 @!p1 $0x0  }
0x14: {  	s2 =	sld [smem:$0x3F98];
	s0 =	simm.s32 @p1 $0x1  }
0x15: {  	[smem:$0x3FB5] =	sst s0;
	s0 =	simm.s32 @!p2 $0x0  }
0x16: {  	s3 =	sld [smem:$0x3FDB];
	s0 =	simm.s32 @p2 $0x1  }
0x17: {  	s4 =	simm.s32 $0x1BF5;
	[smem:$0x3FB7] =	sst s0  }
0x18: {  	s0 =	sld [smem:$0x3F9A];
	_ =	swait.ge [sflag:s4], $0x0  }
0x19: {  	s7 =	sld [smem:$0x3F9B]  }
0x1a: {  	s8 =	sadd.s32 $0xFFFFE003, lr  }
0x1b: {  	s9 =	sadd.s32 $0xFFFFFEF7, lr;
	s5 =	simm.s32 $0xFFFFFFFF;
	p2 =	slt.u32 s8, $0xFFFFF086  }
0x1c: {  	p1 =	slt.u32 s9, $0xF7A;
	s5 =	simm.s32 @!p2 $0x0  }
0x1d: {  	s5 =	simm.s32 @p1 $0x1;
	p0 =	seq.s32 s7, s2  }
0x1e: {  	s7 =	smul.u32 @!p0 $0xF7A, s2;
	p2 =	seq.s32 @!p0 s5, $0x0  }
0x1f: {  	s9 =	smul.u32 $0xF7A, s1;
	s8 =	simm.s32 @!p0 $0x1BF5;
	p2 =	por !p2, p0  }
0x20: {  	[sflag:s8] =	ssyncset.s32 @!p0 $0xFFFFF086;
	s6 =	sadd.s32 @!p0 s3, s7;
	s7 =	simm.s32 @!p0 $0x108  }
0x21: {  	s3 =	sadd.s32 s3, s9;
	s6 =	sadd.s32 @!p0 $0x88, s6;
	s7 =	simm.s32 @p2 $0x1082  }
0x22: {  	[simem:s7], [sflag:s8] =	dma.local @!p0 [hbm:s6], $0xF7A  }
0x23: {  	s9 =	sor.u32 $0xD0000000, s2;
	s6 =	simm.s32 $0x108;
	_ =	swait.ge @!p0 [sflag:s8], $0x0  }
0x24: {  	s3 =	sadd.s32 $0x88, s3;
	s6 =	simm.s32 @!p1 $0x1082;
	[sflag:s4] =	ssyncset.s32 $0xFFFFF086  }
0x25: {  	[simem:s6], [sflag:s4] =	dma.local [hbm:s3], $0xF7A  }
0x26: {  	[smem:$0x3F9B] =	sst s1;
	(tag) =	ssettag s2;
	_ =	strace s9  }
0x27: {  	s1 =	sld [smem:$0x3FAB]  }
0x28: {  	s2 =	sld [smem:$0x3FAC]  }
0x29: {  	s4 =	sld [smem:$0x3FAE]  }
0x2a: {  	p0 =	seq.s32 s5, $0x0;
	s5 =	sld [smem:$0x3FAF]  }
0x2b: {  	s6 =	sld [smem:$0x3FB0]  }
0x2c: {  	s7 =	sld [smem:$0x3FB1]  }
0x2d: {  	s3 =	simm.s32 $0x108;
	s8 =	sld [smem:$0x3FB2]  }
0x2e: {  	s3 =	simm.s32 @!p0 $0x1082;
	s9 =	sld [smem:$0x3FB3]  }
0x2f: {  	lr =	sadd.s32 s0, s3;
	s0 =	sld [smem:$0x3FAA]  }
0x30: {  	s3 =	sld [smem:$0x3FAD]  }
0x31: {  	[smem:$0x3FB6] =	sst s10  }
0x32: {  	s10 =	sld [smem:$0x3FB4];
	_ =	sdelay $0x3  }
0x33: {  	p0 =	seq.s32 s10, $0x1;
	s10 =	sld [smem:$0x3FB6];
	_ =	sdelay $0x3  }
0x34: {  	[smem:$0x3FB6] =	sst s10  }
0x35: {  	s10 =	sld [smem:$0x3FB5];
	_ =	sdelay $0x3  }
0x36: {  	p1 =	seq.s32 s10, $0x1;
	s10 =	sld [smem:$0x3FB6];
	_ =	sdelay $0x3  }
0x37: {  	[smem:$0x3FB6] =	sst s10  }
0x38: {  	s10 =	sld [smem:$0x3FB7]  }
0x39: {  	_ = 	snop;
	(pc) =	sbr.ind lr, $3  }
0x3a: {  	_ = 	snop  }
0x3b: {  	_ = 	snop  }
0x3c: {  	p2 =	seq.s32 s10, $0x1;
	s10 =	sld [smem:$0x3FB6]  }
0x3d: {  	_ =	shalt  }
0x3e: {  	_ =	shalt  }
0x3f: {  	_ =	shalt  }
0x40: {  	_ =	shalt  }
0x41: {  	_ =	shalt  }
0x42: {  	_ =	shalt  }
0x43: {  	_ =	shalt  }
0x44: {  	_ =	shalt  }
0x45: {  	_ =	shalt  }
0x46: {  	_ =	shalt  }
0x47: {  	_ =	shalt  }
0x48: {  	_ =	shalt  }
0x49: {  	_ =	shalt  }
0x4a: {  	_ =	shalt  }
0x4b: {  	_ =	shalt  }
0x4c: {  	_ =	shalt  }
0x4d: {  	_ =	shalt  }
0x4e: {  	_ =	shalt  }
0x4f: {  	_ =	shalt  }
0x50: {  	_ =	shalt  }
0x51: {  	_ =	shalt  }
0x52: {  	_ =	shalt  }
0x53: {  	_ =	shalt  }
0x54: {  	_ =	shalt  }
0x55: {  	_ =	shalt  }
0x56: {  	_ =	shalt  }
0x57: {  	_ =	shalt  }
0x58: {  	_ =	shalt  }
0x59: {  	_ =	shalt  }
0x5a: {  	_ =	shalt  }
0x5b: {  	_ =	shalt  }
0x5c: {  	_ =	shalt  }
0x5d: {  	_ =	shalt  }
0x5e: {  	_ =	shalt  }
0x5f: {  	_ =	shalt  }
0x60: {  	_ =	shalt  }
0x61: {  	_ =	shalt  }
0x62: {  	_ =	shalt  }
0x63: {  	_ =	shalt  }
0x64: {  	_ =	shalt  }
0x65: {  	_ =	shalt  }
0x66: {  	_ =	shalt  }
0x67: {  	_ =	shalt  }
0x68: {  	_ =	shalt  }
0x69: {  	_ =	shalt  }
0x6a: {  	_ =	shalt  }
0x6b: {  	_ =	shalt  }
0x6c: {  	_ =	shalt  }
0x6d: {  	_ =	shalt  }
0x6e: {  	_ =	shalt  }
0x6f: {  	_ =	shalt  }
0x70: {  	_ =	shalt  }
0x71: {  	_ =	shalt  }
0x72: {  	_ =	shalt  }
0x73: {  	_ =	shalt  }
0x74: {  	_ =	shalt  }
0x75: {  	_ =	shalt  }
0x76: {  	_ =	shalt  }
0x77: {  	_ =	shalt  }
0x78: {  	_ =	shalt  }
0x79: {  	_ =	shalt  }
0x7a: {  	_ =	shalt  }
0x7b: {  	_ =	shalt  }
0x7c: {  	_ =	shalt  }
0x7d: {  	_ =	shalt  }
0x7e: {  	_ =	shalt  }
0x7f: {  	_ =	shalt  }
0x80: {  	_ =	shalt  }
0x81: {  	_ =	shalt  }
0x82: {  	_ =	shalt  }
0x83: {  	_ =	shalt  }
0x84: {  	_ =	shalt  }
0x85: {  	_ =	shalt  }
0x86: {  	_ =	shalt  }
0x87: {  	_ =	shalt  }
.Lfunc_end0:
.L_simem_size_0:
called_computation_lowered:
.L_overlay_start_0:
0x88: {  	s2 =	sld [smem:$0x3FD9]  }
0x89: {  	s3 =	sld [smem:$0x3FFE];
	_ =	sdelay $0x1  }
0x8a: {  	s1 =	srdreg.scid  }
0x8b: {  	s0 =	sand.u32 $0x1, s1  }
0x8c: {  	s16 =	sshll.u32 s0, $0xA;
	s2 =	sadd.s32 s3, s2  }
0x8d: {  	s2 =	sadd.s32 s2, s16  }
0x8e: {  	[smem:$0x3FC2] =	sst s2  }
0x8f: {  	_ = 	snop  }
0x90: {  	(tm) =	ssettm $0x1  }
0x91: {  	s17 =	sld [smem:$0x3FFB];
	_ =	sdelay $0x3  }
0x92: {  	_ =	strace s17  }
0x93: {  	s2 =	sld [smem:$0x3FFC];
	_ =	sdelay $0x3  }
0x94: {  	_ =	strace s2  }
0x95: {  	s2 =	sld [smem:$0x3FFD];
	_ =	sdelay $0x3  }
0x96: {  	_ =	strace s2  }
0x97: {  	_ =	strace $0x8FFFFFFF  }
0x98: {  	s18 =	sld [smem:$0x3FDB];
	_ =	sdelay $0x1  }
0x99: {  	s19 =	simm.s32 $_scs_section_size  }
0x9a: {  	s4 =	simm.s32 $_size__tile_overlayer_lowered;
	s5 =	simm.s32 $_tile_overlayer_lowered  }
0x9b: {  	s22 =	simm.s32 $0x1BFF;
	s21 =	sshll.u32 s5, $0x1;
	s2 =	sadd.s32 s19, s18  }
0x9c: {  	s6 =	simm.s32 $0x0;
	s20 =	sshll.u32 s4, $0x1;
	s4 =	sadd.s32 s21, s2  }
0x9d: {  	[timem:s6], [sflag:s22] =	dma.local [hbm:s4], s20  }
0x9e: {  	_ =	swait.ge [sflag:s22], s20  }
0x9f: {  	s3 =	ssub.s32 $0x0, s20;
	[sflag:s22] =	ssyncset.done $0x0  }
0xa0: {  	[sflag:s22] =	ssyncadd.s32 s3;
	_ =	sdelay $0x1  }
0xa1: {  	s23 =	simm.s32 $0x1B8B  }
0xa2: {  	_ =	swait.ge [sflag:s23], $0x1  }
0xa3: {  	[sflag:s23] =	ssyncset.done $0x0  }
0xa4: {  	s25 =	simm.s32 $0x1B8E;
	s24 =	sld [smem:$0x3FFE];
	[sflag:s23] =	ssyncadd.s32 $0xFFFFFFFF  }
0xa5: {  	s26 =	simm.s32 $execute0_lowered;
	[smem:$0x3FD2] =	sst s25  }
0xa6: {  	s4 =	sshll.u32 s26, $0x1;
	_ =	strace $0x80000046;
	[dreg:$0x1] =	wrdreg $0xFFFFFFFF  }
0xa7: {  	s28 =	simm.s32 $_size_execute0_lowered;
	s2 =	sadd.s32 s2, s4;
	[dreg:$0x0] =	wrdreg $0x0  }
0xa8: {  	s4 =	sshll.u32 s28, $0x1;
	[dreg:$0x2] =	wrdreg s2  }
0xa9: {  	[dreg:$0x3] =	wrdreg s4  }
0xaa: {  	[dreg:$0x4] =	wrdreg $0xC0  }
0xab: {  	_ =	task [dreg:s6], $0x5FFFF  }
0xac: {  	[dreg:$0x1] =	wrdreg $0xFFFFFFFF  }
0xad: {  	[dreg:$0x0] =	wrdreg $0x60  }
0xae: {  	[dreg:$0x2] =	wrdreg s24  }
0xaf: {  	[dreg:$0x3] =	wrdreg $0x78A00  }
0xb0: {  	[dreg:$0x4] =	wrdreg $0x9  }
0xb1: {  	_ =	task.clear_ibuf [dreg:s6], $0x5FFFF;
	_ =	strace $0x90000046  }
0xb2: {  	s29 =	simm.s32 $0x9;
	_ =	strace $0x80000048  }
0xb3: {  	_ =	swait.ge [sflag:s29], $0x1  }
0xb4: {  	[sflag:s29] =	ssyncadd.s32 $0xFFFFFFFF  }
0xb5: {  	_ =	strace $0x90000048  }
0xb6: {  	_ =	sfence  }
0xb7: {  	s30 =	sld [smem:$0x0];
	_ =	sdelay $0x2  }
0xb8: {  	s31 =	sshll.u32 s1, $0xD;
	s1 =	sshrl.u32 s1, $0x2  }
0xb9: {  	s3 =	sand.u32 $0x4000, s31;
	s1 =	sadd.s32 s1, s30  }
0xba: {  	s0 =	sor.u32 s3, s0;
	s1 =	sshll.u32 s1, $0x11  }
0xbb: {  	s0 =	sor.u32 s1, s0  }
0xbc: {  	s0 =	sadd.s32 $0x8F2B, s0  }
0xbd: {  	[sflag:s0] =	ssyncadd.remote.s32 $0x1  }
0xbe: {  	_ =	sfence.sel $0xFFFF  }
0xbf: {  	[dreg:$0x0] =	wrdreg $0xFFFFFFFF;
	(pc) =	sbr.abs _section_cstart, $3  }
0xc0: {  	[dreg:$0x1] =	wrdreg $0xFFFFFFFF  }
0xc1: {  	_ =	task.clear_ibuf [dreg:s6], $0x2FFFF;
	_ =	strace $0x9FFFFFFF  }
0xc2: {  	(tm) =	ssettm $0x7FFFFFFF  }
0xc3: {  	_ =	shalt  }
tec
execute0_lowered:
.L_overlay_start_1:
0x0: {  	(tag) =	ssettag $0x1  }
0x1: {  	s4 =	rddreg [dreg:$0x0]  }
0x2: {  	s2 =	rddreg [dreg:$0x1]  }
0x3: {  	s0 =	srdreg.scid;
	s1 =	rddreg [dreg:$0x2]  }
0x4: {  	s3 =	simm.s32 $0x0;
	s10 =	simm.s32 $0x1;
	s11 =	simm.s32 $0x2710  }
0x5: {  	s12 =	simm.s32 $0x50A0;
	s5 =	sand.u32 $0x1, s0;
	s0 =	stileid.u32  }
0x6: {  	s13 =	simm.s32 $0x0;
	[smem:$0x7FF] =	sst s3;
	s6 =	smul.u32 $0x28000, s5  }
0x7: {  	s7 =	smul.u32 $0x2800, s0;
	s8 =	sshll.u32 s0, $0x1;
	_ =	strace $0x80000047  }
0x8: {  	s29 =	smul.u32 $0xA00, s0;
	s8 =	sor.u32 s5, s8;
	s5 =	ssub.s32 $0x2, s5  }
0x9: {  	s6 =	sadd.s32 s7, s6;
	s28 =	smul.u32 $0x2710, s8;
	s9 =	sshrl.u32 s5, $0x1  }
0xa: {  	s31 =	sshrl.u32 s29, $0x2;
	s8 =	simm.s32 $0x4E20;
	s6 =	sshrl.u32 s6, $0x3  }
0xb: {  	s30 =	ssub.s32 s5, s9;
	s5 =	sadd.s32 s31, s2;
	s7 =	sshrl.u32 s28, $0x3  }
0xc: {  	s9 =	simm.s32 $0x2;
	s6 =	sadd.s32 s6, s4;
	s4 =	sadd.s32 s4, s7  }
0xd: {  	v0 =	vimm.f32 $1.000000000e+00;
	v1 =	vimm.f32 $0.0e+00;
	s6 =	sadd.s32 $0x16200, s6;
	s7 =	smax.u32 s30, $0x1;
	s4 =	sadd.s32 $0xC440, s4  }
.LBB2_1:
0xe: {  	[tilespmem:s3], [sflag:$0x1] =	stream.linear.gather [hbm4b:s4+s3], $0x2710, $0x38;
	[tilespmem:$0x7B20] =	vst v63  }
0xf: {  	s14 =	simm.s32 $0x40;
	s15 =	simm.s32 $0x0  }
.LBB2_2:
0x10: {  	p0 =	sne.s32 s14, $0x9C00;
	[tilespmem:s15+$0x2710] =	vst v0;
	s15 =	smov.u32 s14;
	s14 =	sadd.s32 $0x40, s14  }
.Ltmp0:
0x11: {  	(pc) =	sbr.rel @p0 .LBB2_2-.Ltmp0, $2  }
0x12: {  	_ =	sdelay $0x2  }
0x13: {  	s15 =	sshra.s32 s15, $0x2  }
0x14: {  	[tilespmem:s15+$0x2710] =	vst v0  }
0x15: {  	[tilespmem:$0x4E20] =	vst v1  }
0x16: {  	[tilespmem:$0x4E30] =	vst v1  }
0x17: {  	[tilespmem:$0x4E40] =	vst v1  }
0x18: {  	[tilespmem:$0x4E50] =	vst v1  }
0x19: {  	[tilespmem:$0x4E60] =	vst v1  }
0x1a: {  	[tilespmem:$0x4E70] =	vst v1  }
0x1b: {  	[tilespmem:$0x4E80] =	vst v1  }
0x1c: {  	[tilespmem:$0x4E90] =	vst v1  }
0x1d: {  	[tilespmem:$0x4EA0] =	vst v1  }
0x1e: {  	[tilespmem:$0x4EB0] =	vst v1  }
0x1f: {  	[tilespmem:$0x4EC0] =	vst v1  }
0x20: {  	[tilespmem:$0x4ED0] =	vst v1  }
0x21: {  	[tilespmem:$0x4EE0] =	vst v1  }
0x22: {  	[tilespmem:$0x4EF0] =	vst v1  }
0x23: {  	[tilespmem:$0x4F00] =	vst v1  }
0x24: {  	[tilespmem:$0x4F10] =	vst v1  }
0x25: {  	[tilespmem:$0x4F20] =	vst v1  }
0x26: {  	[tilespmem:$0x4F30] =	vst v1  }
0x27: {  	[tilespmem:$0x4F40] =	vst v1  }
0x28: {  	[tilespmem:$0x4F50] =	vst v1  }
0x29: {  	[tilespmem:$0x4F60] =	vst v1  }
0x2a: {  	[tilespmem:$0x4F70] =	vst v1  }
0x2b: {  	[tilespmem:$0x4F80] =	vst v1  }
0x2c: {  	[tilespmem:$0x4F90] =	vst v1  }
0x2d: {  	[tilespmem:$0x4FA0] =	vst v1  }
0x2e: {  	[tilespmem:$0x4FB0] =	vst v1  }
0x2f: {  	[tilespmem:$0x4FC0] =	vst v1  }
0x30: {  	[tilespmem:$0x4FD0] =	vst v1  }
0x31: {  	[tilespmem:$0x4FE0] =	vst v1  }
0x32: {  	[tilespmem:$0x4FF0] =	vst v1  }
0x33: {  	[tilespmem:$0x5000] =	vst v1  }
0x34: {  	[tilespmem:$0x5010] =	vst v1  }
0x35: {  	[tilespmem:$0x5020] =	vst v1  }
0x36: {  	[tilespmem:$0x5030] =	vst v1  }
0x37: {  	[tilespmem:$0x5040] =	vst v1  }
0x38: {  	[tilespmem:$0x5050] =	vst v1  }
0x39: {  	[tilespmem:$0x5060] =	vst v1  }
0x3a: {  	[tilespmem:$0x5070] =	vst v1  }
0x3b: {  	[tilespmem:$0x5080] =	vst v1  }
0x3c: {  	[tilespmem:$0x5090] =	vst v1  }
0x3d: {  	[spmem:s5] =	stream.linear.scatter [tilespmem:s8], [sflag:$0x2], $0x280, $0x38;
	[tilespmem:$0x7B20] =	vst v63  }
0x3e: {  	_ =	swait.ge [sflag:s9], $0x280  }
0x3f: {  	[sflag:s9] =	ssyncset.done $0x0  }
0x40: {  	[sflag:s9] =	ssyncadd.s32 $0xFFFFFD80  }
0x41: {  	[bflag:$0x0] =	sbarrier.arrive $0xFFFF  }
0x42: {  	_ =	swait.ge [sflag:s10], $0x2710  }
0x43: {  	[sflag:s10] =	ssyncset.done $0x0  }
0x44: {  	s14 =	simm.s32 $0x0;
	[sflag:s10] =	ssyncadd.s32 $0xFFFFD8F0  }
0x45: {  	[spmem:s2] =	stream.indirect.scatter.add.f32 [tilespmem:s11], [sflag:$0x2], $0x1, s14, s11, $0xb8;
	[tilespmem:$0x7B20] =	vst v63  }
0x46: {  	_ =	swait.ge [sflag:s9], $0x2710  }
0x47: {  	[sflag:s9] =	ssyncset.done $0x0  }
0x48: {  	[sflag:s9] =	ssyncadd.s32 $0xFFFFD8F0  }
0x49: {  	[bflag:$0x0] =	sbarrier.arrive $0xFFFF  }
0x4a: {  	[tilespmem:s8], [sflag:$0x2] =	stream.linear.gather [spmem:s5], $0x280, $0x38;
	[tilespmem:$0x7B20] =	vst v63  }
0x4b: {  	_ =	swait.ge [sflag:s9], $0x280  }
0x4c: {  	[sflag:s9] =	ssyncset.done $0x0  }
0x4d: {  	s31 =	simm.s32 $0x0;
	[sflag:s9] =	ssyncadd.s32 $0xFFFFFD80  }
0x4e: {  	v2 =	vld [tilespmem:s31+$0x4E20];
	_ =	sdelay $0x4  }
0x4f: {  	v3 =	vbroadcast v2, $0x0  }
0x50: {  	s14 =	simm.s32 $0x5120;
	v4 =	vbroadcast v2, $0x1  }
0x51: {  	v5 =	vbroadcast v2, $0x2;
	[tilespmem:s14+$0xFFFFFF80] =	vst v3  }
0x52: {  	v56 =	vbroadcast v2, $0x4;
	[tilespmem:s14+$0xFFFFFF90] =	vst v4  }
0x53: {  	v57 =	vbroadcast v2, $0x5;
	[tilespmem:s14+$0xFFFFFFA0] =	vst v5  }
0x54: {  	v58 =	vbroadcast v2, $0x7;
	[tilespmem:s14+$0xFFFFFFC0] =	vst v56  }
0x55: {  	v59 =	vbroadcast v2, $0x8;
	[tilespmem:s14+$0xFFFFFFD0] =	vst v57  }
0x56: {  	v60 =	vbroadcast v2, $0xA;
	[tilespmem:s14+$0xFFFFFFF0] =	vst v58  }
0x57: {  	v3 =	vbroadcast v2, $0x3;
	[tilespmem:s14+$0x0] =	vst v59  }
0x58: {  	v61 =	vbroadcast v2, $0xB;
	[tilespmem:s14+$0x20] =	vst v60  }
0x59: {  	[tilespmem:s14+$0xFFFFFFB0] =	vst v3;
	v3 =	vbroadcast v2, $0x6  }
0x5a: {  	v62 =	vbroadcast v2, $0xD;
	[tilespmem:s14+$0x30] =	vst v61  }
0x5b: {  	[tilespmem:s14+$0xFFFFFFE0] =	vst v3;
	v3 =	vbroadcast v2, $0x9  }
0x5c: {  	v63 =	vbroadcast v2, $0xE;
	[tilespmem:s14+$0x50] =	vst v62  }
0x5d: {  	[tilespmem:s14+$0x10] =	vst v3;
	v3 =	vbroadcast v2, $0xC  }
0x5e: {  	[tilespmem:s14+$0x60] =	vst v63;
	v2 =	vbroadcast v2, $0xF  }
0x5f: {  	[tilespmem:s14+$0x40] =	vst v3  }
0x60: {  	s16 =	simm.s32 $0x10;
	s15 =	simm.s32 $0x80;
	[tilespmem:s14+$0x70] =	vst v2  }
.LBB2_4:
0x61: {  	p0 =	sne.s32 s15, $0x9C0;
	v2 =	vld [tilespmem:s16+$0x4E20];
	_ =	sdelay $0x4  }
0x62: {  	v3 =	vbroadcast v2, $0x0;
	v4 =	vbroadcast v2, $0x1  }
0x63: {  	s14 =	sadd.s32 $0x100, s14;
	v5 =	vbroadcast v2, $0x2;
	v6 =	vbroadcast v2, $0x3  }
0x64: {  	v7 =	vbroadcast v2, $0x5;
	[tilespmem:s14+$0xFFFFFF80] =	vst v3;
	v3 =	vbroadcast v2, $0x4  }
0x65: {  	v8 =	vbroadcast v2, $0x7;
	[tilespmem:s14+$0xFFFFFF90] =	vst v4;
	v4 =	vbroadcast v2, $0x6  }
0x66: {  	v9 =	vbroadcast v2, $0x9;
	[tilespmem:s14+$0xFFFFFFA0] =	vst v5;
	v5 =	vbroadcast v2, $0x8  }
0x67: {  	v10 =	vbroadcast v2, $0xB;
	[tilespmem:s14+$0xFFFFFFB0] =	vst v6;
	v6 =	vbroadcast v2, $0xA  }
0x68: {  	v11 =	vbroadcast v2, $0xD;
	[tilespmem:s14+$0xFFFFFFC0] =	vst v3;
	v3 =	vbroadcast v2, $0xC  }
0x69: {  	[tilespmem:s14+$0xFFFFFFD0] =	vst v7;
	v7 =	vbroadcast v2, $0xE;
	v2 =	vbroadcast v2, $0xF  }
0x6a: {  	[tilespmem:s14+$0xFFFFFFE0] =	vst v4  }
0x6b: {  	[tilespmem:s14+$0xFFFFFFF0] =	vst v8  }
0x6c: {  	[tilespmem:s14+$0x0] =	vst v5  }
0x6d: {  	[tilespmem:s14+$0x10] =	vst v9  }
0x6e: {  	[tilespmem:s14+$0x20] =	vst v6  }
.Ltmp1:
0x6f: {  	[tilespmem:s14+$0x30] =	vst v10;
	(pc) =	sbr.rel @p0 .LBB2_4-.Ltmp1, $4  }
0x70: {  	[tilespmem:s14+$0x40] =	vst v3  }
0x71: {  	[tilespmem:s14+$0x50] =	vst v11  }
0x72: {  	[tilespmem:s14+$0x60] =	vst v7  }
0x73: {  	s16 =	sshra.s32 s15, $0x2;
	s15 =	sadd.s32 $0x40, s15;
	[tilespmem:s14+$0x70] =	vst v2  }
0x74: {  	v2 =	vld [tilespmem:s16+$0x4E20];
	_ =	sdelay $0x4  }
0x75: {  	v3 =	vbroadcast v2, $0x0  }
0x76: {  	s14 =	sadd.s32 $0x100, s14;
	v4 =	vbroadcast v2, $0x1  }
0x77: {  	v5 =	vbroadcast v2, $0x2;
	[tilespmem:s14+$0xFFFFFF80] =	vst v3  }
0x78: {  	v56 =	vbroadcast v2, $0x4;
	[tilespmem:s14+$0xFFFFFF90] =	vst v4  }
0x79: {  	v57 =	vbroadcast v2, $0x5;
	[tilespmem:s14+$0xFFFFFFA0] =	vst v5  }
0x7a: {  	v58 =	vbroadcast v2, $0x7;
	[tilespmem:s14+$0xFFFFFFC0] =	vst v56  }
0x7b: {  	v59 =	vbroadcast v2, $0x8;
	[tilespmem:s14+$0xFFFFFFD0] =	vst v57  }
0x7c: {  	v60 =	vbroadcast v2, $0xA;
	[tilespmem:s14+$0xFFFFFFF0] =	vst v58  }
0x7d: {  	v3 =	vbroadcast v2, $0x3;
	[tilespmem:s14+$0x0] =	vst v59  }
0x7e: {  	v61 =	vbroadcast v2, $0xB;
	[tilespmem:s14+$0x20] =	vst v60  }
0x7f: {  	[tilespmem:s14+$0xFFFFFFB0] =	vst v3;
	v3 =	vbroadcast v2, $0x6  }
0x80: {  	v62 =	vbroadcast v2, $0xD;
	[tilespmem:s14+$0x30] =	vst v61  }
0x81: {  	[tilespmem:s14+$0xFFFFFFE0] =	vst v3;
	v3 =	vbroadcast v2, $0x9  }
0x82: {  	v63 =	vbroadcast v2, $0xE;
	[tilespmem:s14+$0x50] =	vst v62  }
0x83: {  	[tilespmem:s14+$0x10] =	vst v3;
	v3 =	vbroadcast v2, $0xC  }
0x84: {  	s13 =	sadd.s32 $0x1, s13;
	[tilespmem:s14+$0x60] =	vst v63;
	v2 =	vbroadcast v2, $0xF  }
0x85: {  	p0 =	sne.s32 s13, s7;
	[tilespmem:s14+$0x40] =	vst v3  }
.Ltmp2:
0x86: {  	[tilespmem:s14+$0x70] =	vst v2;
	(pc) =	sbr.rel @p0 .LBB2_1-.Ltmp2, $4  }
0x87: {  	[hbm4b:s6+s3] =	stream.linear.scatter [tilespmem:s12], [sflag:$0x2], $0x2800, $0x38;
	[tilespmem:$0x7B20] =	vst v63  }
0x88: {  	_ =	swait.ge [sflag:s9], $0x2800  }
0x89: {  	[sflag:s9] =	ssyncset.done $0x0  }
0x8a: {  	[sflag:s9] =	ssyncadd.s32 $0xFFFFD800  }
0x8b: {  	_ =	sfence.sel $0x180000  }
0x8c: {  	[bflag:$0x0] =	sbarrier.arrive $0xFFFF  }
0x8d: {  	p0 =	sne.s32 s0, $0x0;
	_ =	strace $0x90000047  }
0x8e: {  	s0 =	sadd.s32 @!p0 $0x100000, s1;
	[bflag:$0x2] =	sbarrier.arrive $0xFFFF  }
0x8f: {  	[sflag:s0] =	ssyncadd.tile.s32 @!p0 $0x1;
	_ =	shalt  }
.Lfunc_end2:
_tile_overlayer_lowered:
.L_overlay_start_2:
0x90: {  	(tag) =	ssettag $0x2  }
0x91: {  	s0 =	rddreg [dreg:$0x0];
	s2 =	stileid.u32  }
0x92: {  	s1 =	rddreg [dreg:$0x1];
	p0 =	sne.s32 s2, $0x0  }
0x93: {  	s3 =	rddreg [dreg:$0x2];
	[bflag:$0x3] =	sbarrier.arrive $0xFFFF;
	s2 =	simm.s32 @!p0 $0x1C02  }
0x94: {  	[timem:s3], [sflag:s2] =	dma.local @!p0 [hbm:s0], s1  }
0x95: {  	s0 =	simm.s32 @!p0 $0x2  }
0x96: {  	_ =	swait.ge @!p0 [sflag:s0], s1  }
0x97: {  	s1 =	ssub.s32 @!p0 $0x0, s1;
	[sflag:s0] =	ssyncset.done @!p0 $0x0  }
0x98: {  	[sflag:s0] =	ssyncadd.s32 @!p0 s1  }
0x99: {  	[bflag:$0x3] =	sbarrier.arrive $0xFFFF  }
0x9a: {  	_ =	shalt  }

</sc_bundles>
